<compile_context>
chip_gen: v7x
topology: tpu7x:2x2x1
jax: 0.10.2.dev20260603
libtpu: 0.0.44.dev20260713+nightly
codegen_flags: <defaults>
</compile_context>

<pallas_src>
import jax
import jax.numpy as jnp
from jax import lax
from jax.experimental import pallas as pl
from jax.experimental.pallas import tpu as pltpu
from jax.experimental.pallas import tpu_sc as plsc

NUM_TASKS = 8
NUM_TOKENS = 4096
INPUT_DIM = 1024
NUM_CLASSES = 512

TB = 512
NB = NUM_TOKENS // TB + NUM_TASKS
P = NB * TB

_NW = 32


def _sc_mesh():
    return plsc.VectorSubcoreMesh(core_axis_name="c", subcore_axis_name="s")


_S_ROWS = NUM_TOKENS // _NW
_S_CH = 32
_S_NCH = _S_ROWS // _S_CH


def _scatter_feat_kernel(feat_hbm, idx_hbm, out_hbm, i0, i1, i2, i3,
                         rows0, rows1, sem0, sem1):
    wid = lax.axis_index("s") * 2 + lax.axis_index("c")
    base = wid * _S_ROWS
    idxs = (i0, i1, i2, i3)
    for c in range(_S_NCH):
        pltpu.sync_copy(idx_hbm.at[pl.ds(base + c * _S_CH, _S_CH)], idxs[c])
    bufs, sems, cps = (rows0, rows1), (sem0, sem1), [None, None]
    for c in range(_S_NCH):
        if c >= 2:
            cps[c % 2].wait()
        pltpu.sync_copy(feat_hbm.at[pl.ds(base + c * _S_CH, _S_CH)],
                        bufs[c % 2])
        cps[c % 2] = pltpu.async_copy(bufs[c % 2], out_hbm.at[idxs[c]],
                                      sems[c % 2])
    cps[0].wait()
    cps[1].wait()


def _scatter_feat(feature, p):
    return pl.kernel(
        _scatter_feat_kernel,
        mesh=_sc_mesh(),
        out_type=jax.ShapeDtypeStruct((P, INPUT_DIM), jnp.float32),
        scratch_types=[
            pltpu.VMEM((_S_CH,), jnp.int32),
            pltpu.VMEM((_S_CH,), jnp.int32),
            pltpu.VMEM((_S_CH,), jnp.int32),
            pltpu.VMEM((_S_CH,), jnp.int32),
            pltpu.VMEM((_S_CH, INPUT_DIM), jnp.float32),
            pltpu.VMEM((_S_CH, INPUT_DIM), jnp.float32),
            pltpu.SemaphoreType.DMA,
            pltpu.SemaphoreType.DMA,
        ],
    )(feature, p)


_C_ROWS = NUM_TOKENS // _NW


def _combine_kernel(slog_hbm, idx_hbm, out_hbm, idx_v, rows_v, sem):
    wid = lax.axis_index("s") * 2 + lax.axis_index("c")
    base = wid * _C_ROWS
    pltpu.sync_copy(idx_hbm.at[pl.ds(base, _C_ROWS)], idx_v)
    pltpu.async_copy(slog_hbm.at[idx_v], rows_v, sem).wait()
    pltpu.sync_copy(rows_v, out_hbm.at[pl.ds(base, _C_ROWS)])


def _combine(sorted_logits, p):
    return pl.kernel(
        _combine_kernel,
        mesh=_sc_mesh(),
        out_type=jax.ShapeDtypeStruct((NUM_TOKENS, NUM_CLASSES), jnp.float32),
        scratch_types=[
            pltpu.VMEM((_C_ROWS,), jnp.int32),
            pltpu.VMEM((_C_ROWS, NUM_CLASSES), jnp.float32),
            pltpu.SemaphoreType.DMA,
        ],
    )(sorted_logits, p)


_M_R = 32
_M_C = NUM_TOKENS // _M_R


def _meta_body(t_ref, p_ref, nb_ref, bt_ref):
    t = t_ref[...]
    iota_nb = lax.broadcasted_iota(jnp.int32, (1, NB), 1)
    tri_c = (lax.broadcasted_iota(jnp.int32, (_M_C, _M_C), 0)
             <= lax.broadcasted_iota(jnp.int32, (_M_C, _M_C), 1)
             ).astype(jnp.float32)
    tri_r = (lax.broadcasted_iota(jnp.int32, (_M_R, _M_R), 1)
             < lax.broadcasted_iota(jnp.int32, (_M_R, _M_R), 0)
             ).astype(jnp.float32)
    p = jnp.zeros((_M_R, _M_C), jnp.int32)
    btacc = jnp.zeros((1, NB), jnp.int32)
    cumb = jnp.int32(0)
    for e in range(NUM_TASKS):
        m = t == e
        mf = m.astype(jnp.float32)
        row_cum = lax.dot_general(mf, tri_c, (((1,), (0,)), ((), ())),
                                  preferred_element_type=jnp.float32)
        row_tot = row_cum[:, -1:]
        pre = lax.dot_general(tri_r, row_tot, (((1,), (0,)), ((), ())),
                              preferred_element_type=jnp.float32)
        rank = (pre + row_cum - mf).astype(jnp.int32)
        cnt = jnp.sum(mf).astype(jnp.int32)
        p = jnp.where(m, TB * cumb + rank, p)
        cumb = cumb + (cnt + TB - 1) // TB
        btacc = btacc + (cumb <= iota_nb).astype(jnp.int32)
    p_ref[...] = p
    nb_ref[...] = jnp.full((1, 1), cumb, jnp.int32)
    bt_ref[...] = jnp.minimum(btacc, NUM_TASKS - 1)


def _metadata(task_ids):
    p2d, nb, bt = pl.pallas_call(
        _meta_body,
        out_shape=[
            jax.ShapeDtypeStruct((_M_R, _M_C), jnp.int32),
            jax.ShapeDtypeStruct((1, 1), jnp.int32),
            jax.ShapeDtypeStruct((1, NB), jnp.int32),
        ],
    )(task_ids.astype(jnp.int32).reshape(_M_R, _M_C))
    return p2d.reshape(NUM_TOKENS), nb.reshape(1), bt.reshape(NB)


def _mm_body(nu_ref, bt_ref, x_ref, w_ref, b_ref, o_ref):
    i = pl.program_id(0)

    @pl.when(i < nu_ref[0])
    def _():
        x = x_ref[...]
        w = w_ref[0]
        y = lax.dot_general(x, w, (((1,), (1,)), ((), ())),
                            preferred_element_type=jnp.float32)
        o_ref[...] = y + b_ref[0, 0][None, :]


def _grouped_matmul(sorted_feat, W, b, nb_used, block_task):
    grid_spec = pltpu.PrefetchScalarGridSpec(
        num_scalar_prefetch=2,
        grid=(NB,),
        in_specs=[
            pl.BlockSpec((TB, INPUT_DIM),
                         lambda i, nu, bt: (jnp.minimum(i, nu[0] - 1), 0)),
            pl.BlockSpec((1, NUM_CLASSES, INPUT_DIM),
                         lambda i, nu, bt: (bt[i], 0, 0)),
            pl.BlockSpec((1, 1, NUM_CLASSES), lambda i, nu, bt: (bt[i], 0, 0)),
        ],
        out_specs=pl.BlockSpec((TB, NUM_CLASSES),
                               lambda i, nu, bt: (jnp.minimum(i, nu[0] - 1),
                                                  0)),
    )
    return pl.pallas_call(
        _mm_body,
        grid_spec=grid_spec,
        out_shape=jax.ShapeDtypeStruct((P, NUM_CLASSES), jnp.float32),
    )(nb_used, block_task, sorted_feat, W,
      b.reshape(NUM_TASKS, 1, NUM_CLASSES))


def kernel(feature, task_ids, W, b):
    p, nb_used, block_task = _metadata(task_ids)
    sorted_feat = _scatter_feat(feature, p)
    sorted_logits = _grouped_matmul(sorted_feat, W, b, nb_used, block_task)
    return _combine(sorted_logits, p)

# --- scband reference (transcript-rebuilt; emitter-appended) ---
"""Pipeline reference for scband-heads-mtl-88175678587571 (READ-ONLY COPY).

The authoritative reference and input builder live on the scoring server;
editing this copy changes nothing except your own understanding.
"""

import jax, jax.numpy as jnp
import numpy as np

NUM_TASKS = 8
INPUT_DIM = 1024
NUM_CLASSES = 512
NUM_TOKENS = 4096


def setup_inputs(seed: int = 0) -> dict:
    key = jax.random.key(seed)
    k1, k2, k3, k4 = jax.random.split(key, 4)
    feature = jax.random.normal(k1, (NUM_TOKENS, INPUT_DIM), dtype=jnp.float32)
    task_ids = jax.random.randint(k2, (NUM_TOKENS,), 0, NUM_TASKS)
    # Per-task head parameters (nn.Linear(input_dim, num_classes) for each task id),
    # stacked into [NUM_TASKS, NUM_CLASSES, INPUT_DIM] and [NUM_TASKS, NUM_CLASSES].
    W = jax.random.normal(k3, (NUM_TASKS, NUM_CLASSES, INPUT_DIM), dtype=jnp.float32) * (1.0 / np.sqrt(INPUT_DIM))
    b = jax.random.normal(k4, (NUM_TASKS, NUM_CLASSES), dtype=jnp.float32) * 0.01
    return {"feature": feature, "task_ids": task_ids, "W": W, "b": b}


def reference(feature, task_ids, W, b):
    # Faithful translation of HeadsMTL.forward with Tensor task_ids:
    # for each task id present, route its tokens through that task's Linear head,
    # then scatter logits back to the original token positions. Since the per-task
    # masks partition the batch, masked accumulation is exactly equivalent to the
    # torch index-scatter (logits[idx] = logits_t).
    n_tasks = W.shape[0]
    logits = jnp.zeros((feature.shape[0], W.shape[1]), dtype=feature.dtype)
    for e in range(n_tasks):
        mask = (task_ids == e)[:, None].astype(feature.dtype)
        logits_e = feature @ W[e].T + b[e]
        logits = logits + mask * logits_e
    return logits

if __name__ == "__main__":
    import jax
    _d = setup_inputs()
    print(jax.jit(kernel)(*tuple(_d.values())))

</pallas_src>

<mosaic_0001>
#map = affine_map<(d0, d1) -> (0, 0)>
#map1 = affine_map<(d0, d1) -> (0)>
module attributes {stable_mosaic.version = 14 : i64} {
  func.func @_scatter_feat_kernel(%arg0: i32, %arg1: i32, %arg2: memref<4096x1024xf32, #tpu.memory_space<hbm>>, %arg3: memref<4096xi32, #tpu.memory_space<hbm>>, %arg4: memref<8192x1024xf32, #tpu.memory_space<hbm>>, %arg5: memref<32xi32, #tpu.memory_space<vmem>>, %arg6: memref<32xi32, #tpu.memory_space<vmem>>, %arg7: memref<32xi32, #tpu.memory_space<vmem>>, %arg8: memref<32xi32, #tpu.memory_space<vmem>>, %arg9: memref<32x1024xf32, #tpu.memory_space<vmem>>, %arg10: memref<32x1024xf32, #tpu.memory_space<vmem>>, %arg11: memref<!tpu.dma_semaphore, #tpu.memory_space<semaphore_mem>>, %arg12: memref<!tpu.dma_semaphore, #tpu.memory_space<semaphore_mem>>) attributes {dimension_semantics = [#tpu.dimension_semantics<core_parallel>, #tpu.dimension_semantics<subcore_parallel>], iteration_bounds = array<i64: 2, 16>, scalar_prefetch = 0 : i64, scratch_operands = 8 : i64, tpu.core_type = #tpu.core_type<sc_vector_subcore>, window_params = [{transform_indices = #map}, {transform_indices = #map1}, {transform_indices = #map}]} {
    %mul3A = arith.constant 2 : i32
    %mul3A_0 = arith.muli %arg1, %mul3A : i32
    %add3A = arith.addi %mul3A_0, %arg0 : i32
    %mul3A_1 = arith.constant 128 : i32
    %mul3A_2 = arith.muli %add3A, %mul3A_1 : i32
    %add3A_3 = arith.constant 0 : i32
    %add3A_4 = arith.addi %mul3A_2, %add3A_3 : i32
    "tpu.region"() ({
      %run_scoped3A = tpu.sem_alloc : memref<!tpu.dma_semaphore, #tpu.memory_space<semaphore_mem>>
      %dma_start3A_41 = tpu.memref_slice %arg3[%add3A_4] : memref<4096xi32, #tpu.memory_space<hbm>> -> memref<32xi32, #tpu.memory_space<hbm>>
      %dma_start3A_42 = tpu.memref_slice %arg3[%add3A_4] : memref<4096xi32, #tpu.memory_space<hbm>> -> memref<32xi32, #tpu.memory_space<hbm>>
      tpu.enqueue_dma source(%dma_start3A_42 : memref<32xi32, #tpu.memory_space<hbm>>) target(%arg5 : memref<32xi32, #tpu.memory_space<vmem>>) target_semaphore(%run_scoped3A : memref<!tpu.dma_semaphore, #tpu.memory_space<semaphore_mem>>)
      %dma_wait3A_43 = tpu.memref_slice %arg3[%add3A_4] : memref<4096xi32, #tpu.memory_space<hbm>> -> memref<32xi32, #tpu.memory_space<hbm>>
      %dma_wait3A_44 = tpu.memref_slice %arg3[%add3A_4] : memref<4096xi32, #tpu.memory_space<hbm>> -> memref<32xi32, #tpu.memory_space<hbm>>
      tpu.wait_dma2 semaphore(%run_scoped3A : memref<!tpu.dma_semaphore, #tpu.memory_space<semaphore_mem>>) src(%dma_wait3A_44 : memref<32xi32, #tpu.memory_space<hbm>>) dst(%arg5 : memref<32xi32, #tpu.memory_space<vmem>>)
      tpu.yield
    }) : () -> ()
    %add3A_5 = arith.constant 32 : i32
    %add3A_6 = arith.addi %mul3A_2, %add3A_5 : i32
    "tpu.region"() ({
      %run_scoped3A = tpu.sem_alloc : memref<!tpu.dma_semaphore, #tpu.memory_space<semaphore_mem>>
      %dma_start3A_41 = tpu.memref_slice %arg3[%add3A_6] : memref<4096xi32, #tpu.memory_space<hbm>> -> memref<32xi32, #tpu.memory_space<hbm>>
      %dma_start3A_42 = tpu.memref_slice %arg3[%add3A_6] : memref<4096xi32, #tpu.memory_space<hbm>> -> memref<32xi32, #tpu.memory_space<hbm>>
      tpu.enqueue_dma source(%dma_start3A_42 : memref<32xi32, #tpu.memory_space<hbm>>) target(%arg6 : memref<32xi32, #tpu.memory_space<vmem>>) target_semaphore(%run_scoped3A : memref<!tpu.dma_semaphore, #tpu.memory_space<semaphore_mem>>)
      %dma_wait3A_43 = tpu.memref_slice %arg3[%add3A_6] : memref<4096xi32, #tpu.memory_space<hbm>> -> memref<32xi32, #tpu.memory_space<hbm>>
      %dma_wait3A_44 = tpu.memref_slice %arg3[%add3A_6] : memref<4096xi32, #tpu.memory_space<hbm>> -> memref<32xi32, #tpu.memory_space<hbm>>
      tpu.wait_dma2 semaphore(%run_scoped3A : memref<!tpu.dma_semaphore, #tpu.memory_space<semaphore_mem>>) src(%dma_wait3A_44 : memref<32xi32, #tpu.memory_space<hbm>>) dst(%arg6 : memref<32xi32, #tpu.memory_space<vmem>>)
      tpu.yield
    }) : () -> ()
    %add3A_7 = arith.constant 64 : i32
    %add3A_8 = arith.addi %mul3A_2, %add3A_7 : i32
    "tpu.region"() ({
      %run_scoped3A = tpu.sem_alloc : memref<!tpu.dma_semaphore, #tpu.memory_space<semaphore_mem>>
      %dma_start3A_41 = tpu.memref_slice %arg3[%add3A_8] : memref<4096xi32, #tpu.memory_space<hbm>> -> memref<32xi32, #tpu.memory_space<hbm>>
      %dma_start3A_42 = tpu.memref_slice %arg3[%add3A_8] : memref<4096xi32, #tpu.memory_space<hbm>> -> memref<32xi32, #tpu.memory_space<hbm>>
      tpu.enqueue_dma source(%dma_start3A_42 : memref<32xi32, #tpu.memory_space<hbm>>) target(%arg7 : memref<32xi32, #tpu.memory_space<vmem>>) target_semaphore(%run_scoped3A : memref<!tpu.dma_semaphore, #tpu.memory_space<semaphore_mem>>)
      %dma_wait3A_43 = tpu.memref_slice %arg3[%add3A_8] : memref<4096xi32, #tpu.memory_space<hbm>> -> memref<32xi32, #tpu.memory_space<hbm>>
      %dma_wait3A_44 = tpu.memref_slice %arg3[%add3A_8] : memref<4096xi32, #tpu.memory_space<hbm>> -> memref<32xi32, #tpu.memory_space<hbm>>
      tpu.wait_dma2 semaphore(%run_scoped3A : memref<!tpu.dma_semaphore, #tpu.memory_space<semaphore_mem>>) src(%dma_wait3A_44 : memref<32xi32, #tpu.memory_space<hbm>>) dst(%arg7 : memref<32xi32, #tpu.memory_space<vmem>>)
      tpu.yield
    }) : () -> ()
    %add3A_9 = arith.constant 96 : i32
    %add3A_10 = arith.addi %mul3A_2, %add3A_9 : i32
    "tpu.region"() ({
      %run_scoped3A = tpu.sem_alloc : memref<!tpu.dma_semaphore, #tpu.memory_space<semaphore_mem>>
      %dma_start3A_41 = tpu.memref_slice %arg3[%add3A_10] : memref<4096xi32, #tpu.memory_space<hbm>> -> memref<32xi32, #tpu.memory_space<hbm>>
      %dma_start3A_42 = tpu.memref_slice %arg3[%add3A_10] : memref<4096xi32, #tpu.memory_space<hbm>> -> memref<32xi32, #tpu.memory_space<hbm>>
      tpu.enqueue_dma source(%dma_start3A_42 : memref<32xi32, #tpu.memory_space<hbm>>) target(%arg8 : memref<32xi32, #tpu.memory_space<vmem>>) target_semaphore(%run_scoped3A : memref<!tpu.dma_semaphore, #tpu.memory_space<semaphore_mem>>)
      %dma_wait3A_43 = tpu.memref_slice %arg3[%add3A_10] : memref<4096xi32, #tpu.memory_space<hbm>> -> memref<32xi32, #tpu.memory_space<hbm>>
      %dma_wait3A_44 = tpu.memref_slice %arg3[%add3A_10] : memref<4096xi32, #tpu.memory_space<hbm>> -> memref<32xi32, #tpu.memory_space<hbm>>
      tpu.wait_dma2 semaphore(%run_scoped3A : memref<!tpu.dma_semaphore, #tpu.memory_space<semaphore_mem>>) src(%dma_wait3A_44 : memref<32xi32, #tpu.memory_space<hbm>>) dst(%arg8 : memref<32xi32, #tpu.memory_space<vmem>>)
      tpu.yield
    }) : () -> ()
    %add3A_11 = arith.constant 0 : i32
    %add3A_12 = arith.addi %mul3A_2, %add3A_11 : i32
    "tpu.region"() ({
      %run_scoped3A = tpu.sem_alloc : memref<!tpu.dma_semaphore, #tpu.memory_space<semaphore_mem>>
      %dma_start3A_41 = arith.constant 0 : i32
      %dma_start3A_42 = tpu.memref_slice %arg2[%add3A_12, %dma_start3A_41] : memref<4096x1024xf32, #tpu.memory_space<hbm>> -> memref<32x1024xf32, #tpu.memory_space<hbm>>
      %dma_start3A_43 = arith.constant 0 : i32
      %dma_start3A_44 = tpu.memref_slice %arg2[%add3A_12, %dma_start3A_43] : memref<4096x1024xf32, #tpu.memory_space<hbm>> -> memref<32x1024xf32, #tpu.memory_space<hbm>>
      tpu.enqueue_dma source(%dma_start3A_44 : memref<32x1024xf32, #tpu.memory_space<hbm>>) target(%arg9 : memref<32x1024xf32, #tpu.memory_space<vmem>>) target_semaphore(%run_scoped3A : memref<!tpu.dma_semaphore, #tpu.memory_space<semaphore_mem>>)
      %dma_wait3A_45 = arith.constant 0 : i32
      %dma_wait3A_46 = tpu.memref_slice %arg2[%add3A_12, %dma_wait3A_45] : memref<4096x1024xf32, #tpu.memory_space<hbm>> -> memref<32x1024xf32, #tpu.memory_space<hbm>>
      %dma_wait3A_47 = arith.constant 0 : i32
      %dma_wait3A_48 = tpu.memref_slice %arg2[%add3A_12, %dma_wait3A_47] : memref<4096x1024xf32, #tpu.memory_space<hbm>> -> memref<32x1024xf32, #tpu.memory_space<hbm>>
      tpu.wait_dma2 semaphore(%run_scoped3A : memref<!tpu.dma_semaphore, #tpu.memory_space<semaphore_mem>>) src(%dma_wait3A_48 : memref<32x1024xf32, #tpu.memory_space<hbm>>) dst(%arg9 : memref<32x1024xf32, #tpu.memory_space<vmem>>)
      tpu.yield
    }) : () -> ()
    %dma_start3A = arith.constant 0 : i32
    %dma_start3A_13 = arith.constant 0 : i32
    %dma_start3A_14 = tpu.memref_slice %arg4[%dma_start3A, %dma_start3A_13] : memref<8192x1024xf32, #tpu.memory_space<hbm>> -> memref<8192x1024xf32, #tpu.memory_space<hbm>>
    tpu.enqueue_indirect_dma source(%arg9 : memref<32x1024xf32, #tpu.memory_space<vmem>>) target(%dma_start3A_14 : memref<8192x1024xf32, #tpu.memory_space<hbm>>) offsets(%arg5 : memref<32xi32, #tpu.memory_space<vmem>>) semaphore(%arg11 : memref<!tpu.dma_semaphore, #tpu.memory_space<semaphore_mem>>)
    %add3A_15 = arith.constant 32 : i32
    %add3A_16 = arith.addi %mul3A_2, %add3A_15 : i32
    "tpu.region"() ({
      %run_scoped3A = tpu.sem_alloc : memref<!tpu.dma_semaphore, #tpu.memory_space<semaphore_mem>>
      %dma_start3A_41 = arith.constant 0 : i32
      %dma_start3A_42 = tpu.memref_slice %arg2[%add3A_16, %dma_start3A_41] : memref<4096x1024xf32, #tpu.memory_space<hbm>> -> memref<32x1024xf32, #tpu.memory_space<hbm>>
      %dma_start3A_43 = arith.constant 0 : i32
      %dma_start3A_44 = tpu.memref_slice %arg2[%add3A_16, %dma_start3A_43] : memref<4096x1024xf32, #tpu.memory_space<hbm>> -> memref<32x1024xf32, #tpu.memory_space<hbm>>
      tpu.enqueue_dma source(%dma_start3A_44 : memref<32x1024xf32, #tpu.memory_space<hbm>>) target(%arg10 : memref<32x1024xf32, #tpu.memory_space<vmem>>) target_semaphore(%run_scoped3A : memref<!tpu.dma_semaphore, #tpu.memory_space<semaphore_mem>>)
      %dma_wait3A_45 = arith.constant 0 : i32
      %dma_wait3A_46 = tpu.memref_slice %arg2[%add3A_16, %dma_wait3A_45] : memref<4096x1024xf32, #tpu.memory_space<hbm>> -> memref<32x1024xf32, #tpu.memory_space<hbm>>
      %dma_wait3A_47 = arith.constant 0 : i32
      %dma_wait3A_48 = tpu.memref_slice %arg2[%add3A_16, %dma_wait3A_47] : memref<4096x1024xf32, #tpu.memory_space<hbm>> -> memref<32x1024xf32, #tpu.memory_space<hbm>>
      tpu.wait_dma2 semaphore(%run_scoped3A : memref<!tpu.dma_semaphore, #tpu.memory_space<semaphore_mem>>) src(%dma_wait3A_48 : memref<32x1024xf32, #tpu.memory_space<hbm>>) dst(%arg10 : memref<32x1024xf32, #tpu.memory_space<vmem>>)
      tpu.yield
    }) : () -> ()
    %dma_start3A_17 = arith.constant 0 : i32
    %dma_start3A_18 = arith.constant 0 : i32
    %dma_start3A_19 = tpu.memref_slice %arg4[%dma_start3A_17, %dma_start3A_18] : memref<8192x1024xf32, #tpu.memory_space<hbm>> -> memref<8192x1024xf32, #tpu.memory_space<hbm>>
    tpu.enqueue_indirect_dma source(%arg10 : memref<32x1024xf32, #tpu.memory_space<vmem>>) target(%dma_start3A_19 : memref<8192x1024xf32, #tpu.memory_space<hbm>>) offsets(%arg6 : memref<32xi32, #tpu.memory_space<vmem>>) semaphore(%arg12 : memref<!tpu.dma_semaphore, #tpu.memory_space<semaphore_mem>>)
    %dma_wait3A = arith.constant 0 : i32
    %dma_wait3A_20 = arith.constant 0 : i32
    %dma_wait3A_21 = tpu.memref_slice %arg4[%dma_wait3A, %dma_wait3A_20] : memref<8192x1024xf32, #tpu.memory_space<hbm>> -> memref<8192x1024xf32, #tpu.memory_space<hbm>>
    tpu.wait_indirect_dma semaphore(%arg11 : memref<!tpu.dma_semaphore, #tpu.memory_space<semaphore_mem>>) src(%arg9 : memref<32x1024xf32, #tpu.memory_space<vmem>>) dst(%dma_wait3A_21 : memref<8192x1024xf32, #tpu.memory_space<hbm>>)
    %add3A_22 = arith.constant 64 : i32
    %add3A_23 = arith.addi %mul3A_2, %add3A_22 : i32
    "tpu.region"() ({
      %run_scoped3A = tpu.sem_alloc : memref<!tpu.dma_semaphore, #tpu.memory_space<semaphore_mem>>
      %dma_start3A_41 = arith.constant 0 : i32
      %dma_start3A_42 = tpu.memref_slice %arg2[%add3A_23, %dma_start3A_41] : memref<4096x1024xf32, #tpu.memory_space<hbm>> -> memref<32x1024xf32, #tpu.memory_space<hbm>>
      %dma_start3A_43 = arith.constant 0 : i32
      %dma_start3A_44 = tpu.memref_slice %arg2[%add3A_23, %dma_start3A_43] : memref<4096x1024xf32, #tpu.memory_space<hbm>> -> memref<32x1024xf32, #tpu.memory_space<hbm>>
      tpu.enqueue_dma source(%dma_start3A_44 : memref<32x1024xf32, #tpu.memory_space<hbm>>) target(%arg9 : memref<32x1024xf32, #tpu.memory_space<vmem>>) target_semaphore(%run_scoped3A : memref<!tpu.dma_semaphore, #tpu.memory_space<semaphore_mem>>)
      %dma_wait3A_45 = arith.constant 0 : i32
      %dma_wait3A_46 = tpu.memref_slice %arg2[%add3A_23, %dma_wait3A_45] : memref<4096x1024xf32, #tpu.memory_space<hbm>> -> memref<32x1024xf32, #tpu.memory_space<hbm>>
      %dma_wait3A_47 = arith.constant 0 : i32
      %dma_wait3A_48 = tpu.memref_slice %arg2[%add3A_23, %dma_wait3A_47] : memref<4096x1024xf32, #tpu.memory_space<hbm>> -> memref<32x1024xf32, #tpu.memory_space<hbm>>
      tpu.wait_dma2 semaphore(%run_scoped3A : memref<!tpu.dma_semaphore, #tpu.memory_space<semaphore_mem>>) src(%dma_wait3A_48 : memref<32x1024xf32, #tpu.memory_space<hbm>>) dst(%arg9 : memref<32x1024xf32, #tpu.memory_space<vmem>>)
      tpu.yield
    }) : () -> ()
    %dma_start3A_24 = arith.constant 0 : i32
    %dma_start3A_25 = arith.constant 0 : i32
    %dma_start3A_26 = tpu.memref_slice %arg4[%dma_start3A_24, %dma_start3A_25] : memref<8192x1024xf32, #tpu.memory_space<hbm>> -> memref<8192x1024xf32, #tpu.memory_space<hbm>>
    tpu.enqueue_indirect_dma source(%arg9 : memref<32x1024xf32, #tpu.memory_space<vmem>>) target(%dma_start3A_26 : memref<8192x1024xf32, #tpu.memory_space<hbm>>) offsets(%arg7 : memref<32xi32, #tpu.memory_space<vmem>>) semaphore(%arg11 : memref<!tpu.dma_semaphore, #tpu.memory_space<semaphore_mem>>)
    %dma_wait3A_27 = arith.constant 0 : i32
    %dma_wait3A_28 = arith.constant 0 : i32
    %dma_wait3A_29 = tpu.memref_slice %arg4[%dma_wait3A_27, %dma_wait3A_28] : memref<8192x1024xf32, #tpu.memory_space<hbm>> -> memref<8192x1024xf32, #tpu.memory_space<hbm>>
    tpu.wait_indirect_dma semaphore(%arg12 : memref<!tpu.dma_semaphore, #tpu.memory_space<semaphore_mem>>) src(%arg10 : memref<32x1024xf32, #tpu.memory_space<vmem>>) dst(%dma_wait3A_29 : memref<8192x1024xf32, #tpu.memory_space<hbm>>)
    %add3A_30 = arith.constant 96 : i32
    %add3A_31 = arith.addi %mul3A_2, %add3A_30 : i32
    "tpu.region"() ({
      %run_scoped3A = tpu.sem_alloc : memref<!tpu.dma_semaphore, #tpu.memory_space<semaphore_mem>>
      %dma_start3A_41 = arith.constant 0 : i32
      %dma_start3A_42 = tpu.memref_slice %arg2[%add3A_31, %dma_start3A_41] : memref<4096x1024xf32, #tpu.memory_space<hbm>> -> memref<32x1024xf32, #tpu.memory_space<hbm>>
      %dma_start3A_43 = arith.constant 0 : i32
      %dma_start3A_44 = tpu.memref_slice %arg2[%add3A_31, %dma_start3A_43] : memref<4096x1024xf32, #tpu.memory_space<hbm>> -> memref<32x1024xf32, #tpu.memory_space<hbm>>
      tpu.enqueue_dma source(%dma_start3A_44 : memref<32x1024xf32, #tpu.memory_space<hbm>>) target(%arg10 : memref<32x1024xf32, #tpu.memory_space<vmem>>) target_semaphore(%run_scoped3A : memref<!tpu.dma_semaphore, #tpu.memory_space<semaphore_mem>>)
      %dma_wait3A_45 = arith.constant 0 : i32
      %dma_wait3A_46 = tpu.memref_slice %arg2[%add3A_31, %dma_wait3A_45] : memref<4096x1024xf32, #tpu.memory_space<hbm>> -> memref<32x1024xf32, #tpu.memory_space<hbm>>
      %dma_wait3A_47 = arith.constant 0 : i32
      %dma_wait3A_48 = tpu.memref_slice %arg2[%add3A_31, %dma_wait3A_47] : memref<4096x1024xf32, #tpu.memory_space<hbm>> -> memref<32x1024xf32, #tpu.memory_space<hbm>>
      tpu.wait_dma2 semaphore(%run_scoped3A : memref<!tpu.dma_semaphore, #tpu.memory_space<semaphore_mem>>) src(%dma_wait3A_48 : memref<32x1024xf32, #tpu.memory_space<hbm>>) dst(%arg10 : memref<32x1024xf32, #tpu.memory_space<vmem>>)
      tpu.yield
    }) : () -> ()
    %dma_start3A_32 = arith.constant 0 : i32
    %dma_start3A_33 = arith.constant 0 : i32
    %dma_start3A_34 = tpu.memref_slice %arg4[%dma_start3A_32, %dma_start3A_33] : memref<8192x1024xf32, #tpu.memory_space<hbm>> -> memref<8192x1024xf32, #tpu.memory_space<hbm>>
    tpu.enqueue_indirect_dma source(%arg10 : memref<32x1024xf32, #tpu.memory_space<vmem>>) target(%dma_start3A_34 : memref<8192x1024xf32, #tpu.memory_space<hbm>>) offsets(%arg8 : memref<32xi32, #tpu.memory_space<vmem>>) semaphore(%arg12 : memref<!tpu.dma_semaphore, #tpu.memory_space<semaphore_mem>>)
    %dma_wait3A_35 = arith.constant 0 : i32
    %dma_wait3A_36 = arith.constant 0 : i32
    %dma_wait3A_37 = tpu.memref_slice %arg4[%dma_wait3A_35, %dma_wait3A_36] : memref<8192x1024xf32, #tpu.memory_space<hbm>> -> memref<8192x1024xf32, #tpu.memory_space<hbm>>
    tpu.wait_indirect_dma semaphore(%arg11 : memref<!tpu.dma_semaphore, #tpu.memory_space<semaphore_mem>>) src(%arg9 : memref<32x1024xf32, #tpu.memory_space<vmem>>) dst(%dma_wait3A_37 : memref<8192x1024xf32, #tpu.memory_space<hbm>>)
    %dma_wait3A_38 = arith.constant 0 : i32
    %dma_wait3A_39 = arith.constant 0 : i32
    %dma_wait3A_40 = tpu.memref_slice %arg4[%dma_wait3A_38, %dma_wait3A_39] : memref<8192x1024xf32, #tpu.memory_space<hbm>> -> memref<8192x1024xf32, #tpu.memory_space<hbm>>
    tpu.wait_indirect_dma semaphore(%arg12 : memref<!tpu.dma_semaphore, #tpu.memory_space<semaphore_mem>>) src(%arg10 : memref<32x1024xf32, #tpu.memory_space<vmem>>) dst(%dma_wait3A_40 : memref<8192x1024xf32, #tpu.memory_space<hbm>>)
    return
  }
}

#map = affine_map<(d0, d1) -> (0, 0)>
#map1 = affine_map<(d0, d1) -> (0)>
module attributes {stable_mosaic.version = 14 : i64} {
  func.func @_combine_kernel(%arg0: i32, %arg1: i32, %arg2: memref<8192x512xf32, #tpu.memory_space<hbm>>, %arg3: memref<4096xi32, #tpu.memory_space<hbm>>, %arg4: memref<4096x512xf32, #tpu.memory_space<hbm>>, %arg5: memref<128xi32, #tpu.memory_space<vmem>>, %arg6: memref<128x512xf32, #tpu.memory_space<vmem>>, %arg7: memref<!tpu.dma_semaphore, #tpu.memory_space<semaphore_mem>>) attributes {dimension_semantics = [#tpu.dimension_semantics<core_parallel>, #tpu.dimension_semantics<subcore_parallel>], iteration_bounds = array<i64: 2, 16>, scalar_prefetch = 0 : i64, scratch_operands = 3 : i64, tpu.core_type = #tpu.core_type<sc_vector_subcore>, window_params = [{transform_indices = #map}, {transform_indices = #map1}, {transform_indices = #map}]} {
    %mul3A = arith.constant 2 : i32
    %mul3A_0 = arith.muli %arg1, %mul3A : i32
    %add3A = arith.addi %mul3A_0, %arg0 : i32
    %mul3A_1 = arith.constant 128 : i32
    %mul3A_2 = arith.muli %add3A, %mul3A_1 : i32
    "tpu.region"() ({
      %run_scoped3A = tpu.sem_alloc : memref<!tpu.dma_semaphore, #tpu.memory_space<semaphore_mem>>
      %dma_start3A_7 = tpu.memref_slice %arg3[%mul3A_2] : memref<4096xi32, #tpu.memory_space<hbm>> -> memref<128xi32, #tpu.memory_space<hbm>>
      %dma_start3A_8 = tpu.memref_slice %arg3[%mul3A_2] : memref<4096xi32, #tpu.memory_space<hbm>> -> memref<128xi32, #tpu.memory_space<hbm>>
      tpu.enqueue_dma source(%dma_start3A_8 : memref<128xi32, #tpu.memory_space<hbm>>) target(%arg5 : memref<128xi32, #tpu.memory_space<vmem>>) target_semaphore(%run_scoped3A : memref<!tpu.dma_semaphore, #tpu.memory_space<semaphore_mem>>)
      %dma_wait3A_9 = tpu.memref_slice %arg3[%mul3A_2] : memref<4096xi32, #tpu.memory_space<hbm>> -> memref<128xi32, #tpu.memory_space<hbm>>
      %dma_wait3A_10 = tpu.memref_slice %arg3[%mul3A_2] : memref<4096xi32, #tpu.memory_space<hbm>> -> memref<128xi32, #tpu.memory_space<hbm>>
      tpu.wait_dma2 semaphore(%run_scoped3A : memref<!tpu.dma_semaphore, #tpu.memory_space<semaphore_mem>>) src(%dma_wait3A_10 : memref<128xi32, #tpu.memory_space<hbm>>) dst(%arg5 : memref<128xi32, #tpu.memory_space<vmem>>)
      tpu.yield
    }) : () -> ()
    %dma_start3A = arith.constant 0 : i32
    %dma_start3A_3 = arith.constant 0 : i32
    %dma_start3A_4 = tpu.memref_slice %arg2[%dma_start3A, %dma_start3A_3] : memref<8192x512xf32, #tpu.memory_space<hbm>> -> memref<8192x512xf32, #tpu.memory_space<hbm>>
    tpu.enqueue_indirect_dma source(%dma_start3A_4 : memref<8192x512xf32, #tpu.memory_space<hbm>>) target(%arg6 : memref<128x512xf32, #tpu.memory_space<vmem>>) offsets(%arg5 : memref<128xi32, #tpu.memory_space<vmem>>) semaphore(%arg7 : memref<!tpu.dma_semaphore, #tpu.memory_space<semaphore_mem>>)
    %dma_wait3A = arith.constant 0 : i32
    %dma_wait3A_5 = arith.constant 0 : i32
    %dma_wait3A_6 = tpu.memref_slice %arg2[%dma_wait3A, %dma_wait3A_5] : memref<8192x512xf32, #tpu.memory_space<hbm>> -> memref<8192x512xf32, #tpu.memory_space<hbm>>
    tpu.wait_indirect_dma semaphore(%arg7 : memref<!tpu.dma_semaphore, #tpu.memory_space<semaphore_mem>>) src(%dma_wait3A_6 : memref<8192x512xf32, #tpu.memory_space<hbm>>) dst(%arg6 : memref<128x512xf32, #tpu.memory_space<vmem>>)
    "tpu.region"() ({
      %run_scoped3A = tpu.sem_alloc : memref<!tpu.dma_semaphore, #tpu.memory_space<semaphore_mem>>
      %dma_start3A_7 = arith.constant 0 : i32
      %dma_start3A_8 = tpu.memref_slice %arg4[%mul3A_2, %dma_start3A_7] : memref<4096x512xf32, #tpu.memory_space<hbm>> -> memref<128x512xf32, #tpu.memory_space<hbm>>
      %dma_start3A_9 = arith.constant 0 : i32
      %dma_start3A_10 = tpu.memref_slice %arg4[%mul3A_2, %dma_start3A_9] : memref<4096x512xf32, #tpu.memory_space<hbm>> -> memref<128x512xf32, #tpu.memory_space<hbm>>
      tpu.enqueue_dma source(%arg6 : memref<128x512xf32, #tpu.memory_space<vmem>>) target(%dma_start3A_10 : memref<128x512xf32, #tpu.memory_space<hbm>>) target_semaphore(%run_scoped3A : memref<!tpu.dma_semaphore, #tpu.memory_space<semaphore_mem>>)
      %dma_wait3A_11 = arith.constant 0 : i32
      %dma_wait3A_12 = tpu.memref_slice %arg4[%mul3A_2, %dma_wait3A_11] : memref<4096x512xf32, #tpu.memory_space<hbm>> -> memref<128x512xf32, #tpu.memory_space<hbm>>
      %dma_wait3A_13 = arith.constant 0 : i32
      %dma_wait3A_14 = tpu.memref_slice %arg4[%mul3A_2, %dma_wait3A_13] : memref<4096x512xf32, #tpu.memory_space<hbm>> -> memref<128x512xf32, #tpu.memory_space<hbm>>
      tpu.wait_dma2 semaphore(%run_scoped3A : memref<!tpu.dma_semaphore, #tpu.memory_space<semaphore_mem>>) src(%arg6 : memref<128x512xf32, #tpu.memory_space<vmem>>) dst(%dma_wait3A_14 : memref<128x512xf32, #tpu.memory_space<hbm>>)
      tpu.yield
    }) : () -> ()
    return
  }
}

module attributes {stable_mosaic.version = 14 : i64} {
  func.func @_meta_body(%arg0: memref<32x128xi32, #tpu.memory_space<vmem>>, %arg1: memref<32x128xi32, #tpu.memory_space<vmem>>, %arg2: memref<1x1xi32, #tpu.memory_space<vmem>>, %arg3: memref<1x16xi32, #tpu.memory_space<vmem>>) attributes {dimension_semantics = [], scalar_prefetch = 0 : i64, scratch_operands = 0 : i64, tpu.core_type = #tpu.core_type<tc>} {
    %get3A = arith.constant 0 : index
    %get3A_0 = arith.constant 0 : index
    %get3A_1 = vector.load %arg0[%get3A, %get3A_0] : memref<32x128xi32, #tpu.memory_space<vmem>>, vector<32x128xi32>
    %iota3A = tpu.iota {dimensions = array<i32: 1>} : vector<1x16xi32>
    %iota3A_2 = tpu.iota {dimensions = array<i32: 0>} : vector<128x128xi32>
    %iota3A_3 = tpu.iota {dimensions = array<i32: 1>} : vector<128x128xi32>
    %le3A = arith.cmpi sle, %iota3A_2, %iota3A_3 : vector<128x128xi32>
    %convert_element_type3A = arith.extui %le3A : vector<128x128xi1> to vector<128x128xi32>
    %convert_element_type3A_4 = arith.sitofp %convert_element_type3A : vector<128x128xi32> to vector<128x128xf32>
    %iota3A_5 = tpu.iota {dimensions = array<i32: 1>} : vector<32x32xi32>
    %iota3A_6 = tpu.iota {dimensions = array<i32: 0>} : vector<32x32xi32>
    %lt3A = arith.cmpi slt, %iota3A_5, %iota3A_6 : vector<32x32xi32>
    %convert_element_type3A_7 = arith.extui %lt3A : vector<32x32xi1> to vector<32x32xi32>
    %convert_element_type3A_8 = arith.sitofp %convert_element_type3A_7 : vector<32x32xi32> to vector<32x32xf32>
    %broadcast_in_dim3A = arith.constant 0 : i32
    %broadcast_in_dim3A_9 = vector.broadcast %broadcast_in_dim3A : i32 to vector<32x128xi32>
    %broadcast_in_dim3A_10 = arith.constant 0 : i32
    %broadcast_in_dim3A_11 = vector.broadcast %broadcast_in_dim3A_10 : i32 to vector<1x16xi32>
    %eq3A = arith.constant 0 : i32
    %eq3A_12 = vector.broadcast %eq3A : i32 to vector<32x128xi32>
    %eq3A_13 = arith.cmpi eq, %get3A_1, %eq3A_12 : vector<32x128xi32>
    %convert_element_type3A_14 = arith.extui %eq3A_13 : vector<32x128xi1> to vector<32x128xi32>
    %convert_element_type3A_15 = arith.sitofp %convert_element_type3A_14 : vector<32x128xi32> to vector<32x128xf32>
    %dot_general3A = arith.constant dense<0.000000e+00> : vector<32x128xf32>
    %dot_general3A_16 = tpu.matmul %convert_element_type3A_15, %convert_element_type3A_4, %dot_general3A {dimension_numbers = #tpu.dot_dimension_numbers<[1], [0], [0], [1], [0, 0, 1, 1], [], []>, transpose_lhs_hint = false} : vector<32x128xf32>, vector<128x128xf32>, vector<32x128xf32> -> vector<32x128xf32>
    %slice3A = vector.extract_strided_slice %dot_general3A_16 {offsets = [0, 127], sizes = [32, 1], strides = [1, 1]} : vector<32x128xf32> to vector<32x1xf32>
    %dot_general3A_17 = arith.constant dense<0.000000e+00> : vector<32x1xf32>
    %dot_general3A_18 = tpu.matmul %convert_element_type3A_8, %slice3A, %dot_general3A_17 {dimension_numbers = #tpu.dot_dimension_numbers<[1], [0], [0], [1], [0, 0, 1, 1], [], []>, transpose_lhs_hint = false} : vector<32x32xf32>, vector<32x1xf32>, vector<32x1xf32> -> vector<32x1xf32>
    %add3A = vector.broadcast %dot_general3A_18 : vector<32x1xf32> to vector<32x128xf32>
    %add3A_19 = arith.addf %add3A, %dot_general3A_16 : vector<32x128xf32>
    %sub3A = arith.subf %add3A_19, %convert_element_type3A_15 : vector<32x128xf32>
    %convert_element_type3A_20 = arith.fptosi %sub3A : vector<32x128xf32> to vector<32x128xi32>
    %reduce_sum3A = vector.shape_cast %convert_element_type3A_15 : vector<32x128xf32> to vector<1x32x128xf32>
    %reduce_sum3A_21 = arith.constant dense<0.000000e+00> : vector<1xf32>
    %reduce_sum3A_22 = vector.multi_reduction <add>, %reduce_sum3A, %reduce_sum3A_21 [1, 2] : vector<1x32x128xf32> to vector<1xf32>
    %reduce_sum3A_23 = vector.shape_cast %reduce_sum3A_22 : vector<1xf32> to vector<1x1x1xf32>
    %reduce_sum3A_24 = vector.extract %reduce_sum3A_23[0, 0, 0] : f32 from vector<1x1x1xf32>
    %convert_element_type3A_25 = arith.fptosi %reduce_sum3A_24 : f32 to i32
    %mul3A = arith.constant 512 : i32
    %mul3A_26 = arith.constant 0 : i32
    %mul3A_27 = arith.muli %mul3A, %mul3A_26 : i32
    %add3A_28 = vector.broadcast %mul3A_27 : i32 to vector<32x128xi32>
    %add3A_29 = arith.addi %add3A_28, %convert_element_type3A_20 : vector<32x128xi32>
    %select_n3A = arith.select %eq3A_13, %add3A_29, %broadcast_in_dim3A_9 : vector<32x128xi1>, vector<32x128xi32>
    %add3A_30 = arith.constant 512 : i32
    %add3A_31 = arith.addi %convert_element_type3A_25, %add3A_30 : i32
    %sub3A_32 = arith.constant 1 : i32
    %sub3A_33 = arith.subi %add3A_31, %sub3A_32 : i32
    %jit3A = arith.constant 512 : i32
    %div3A = arith.divsi %sub3A_33, %jit3A : i32
    %sign3A = arith.constant 0 : i32
    %sign3A_34 = arith.cmpi sgt, %sub3A_33, %sign3A : i32
    %sign3A_35 = arith.extui %sign3A_34 : i1 to i32
    %sign3A_36 = arith.constant 0 : i32
    %sign3A_37 = arith.cmpi slt, %sub3A_33, %sign3A_36 : i32
    %sign3A_38 = arith.extui %sign3A_37 : i1 to i32
    %sign3A_39 = arith.subi %sign3A_35, %sign3A_38 : i32
    %sign3A_40 = arith.constant 0 : i32
    %sign3A_41 = arith.cmpi sgt, %jit3A, %sign3A_40 : i32
    %sign3A_42 = arith.extui %sign3A_41 : i1 to i32
    %sign3A_43 = arith.constant 0 : i32
    %sign3A_44 = arith.cmpi slt, %jit3A, %sign3A_43 : i32
    %sign3A_45 = arith.extui %sign3A_44 : i1 to i32
    %sign3A_46 = arith.subi %sign3A_42, %sign3A_45 : i32
    %ne3A = arith.cmpi ne, %sign3A_39, %sign3A_46 : i32
    %rem3A = arith.remsi %sub3A_33, %jit3A : i32
    %ne3A_47 = arith.constant 0 : i32
    %ne3A_48 = arith.cmpi ne, %rem3A, %ne3A_47 : i32
    %and3A = arith.andi %ne3A, %ne3A_48 : i1
    %sub3A_49 = arith.constant 1 : i32
    %sub3A_50 = arith.subi %div3A, %sub3A_49 : i32
    %select_n3A_51 = arith.select %and3A, %sub3A_50, %div3A : i32
    %add3A_52 = arith.constant 0 : i32
    %add3A_53 = arith.addi %add3A_52, %select_n3A_51 : i32
    %le3A_54 = vector.broadcast %add3A_53 : i32 to vector<1x16xi32>
    %le3A_55 = arith.cmpi sle, %le3A_54, %iota3A : vector<1x16xi32>
    %convert_element_type3A_56 = arith.extui %le3A_55 : vector<1x16xi1> to vector<1x16xi32>
    %add3A_57 = arith.addi %broadcast_in_dim3A_11, %convert_element_type3A_56 : vector<1x16xi32>
    %eq3A_58 = arith.constant 1 : i32
    %eq3A_59 = vector.broadcast %eq3A_58 : i32 to vector<32x128xi32>
    %eq3A_60 = arith.cmpi eq, %get3A_1, %eq3A_59 : vector<32x128xi32>
    %convert_element_type3A_61 = arith.extui %eq3A_60 : vector<32x128xi1> to vector<32x128xi32>
    %convert_element_type3A_62 = arith.sitofp %convert_element_type3A_61 : vector<32x128xi32> to vector<32x128xf32>
    %dot_general3A_63 = arith.constant dense<0.000000e+00> : vector<32x128xf32>
    %dot_general3A_64 = tpu.matmul %convert_element_type3A_62, %convert_element_type3A_4, %dot_general3A_63 {dimension_numbers = #tpu.dot_dimension_numbers<[1], [0], [0], [1], [0, 0, 1, 1], [], []>, transpose_lhs_hint = false} : vector<32x128xf32>, vector<128x128xf32>, vector<32x128xf32> -> vector<32x128xf32>
    %slice3A_65 = vector.extract_strided_slice %dot_general3A_64 {offsets = [0, 127], sizes = [32, 1], strides = [1, 1]} : vector<32x128xf32> to vector<32x1xf32>
    %dot_general3A_66 = arith.constant dense<0.000000e+00> : vector<32x1xf32>
    %dot_general3A_67 = tpu.matmul %convert_element_type3A_8, %slice3A_65, %dot_general3A_66 {dimension_numbers = #tpu.dot_dimension_numbers<[1], [0], [0], [1], [0, 0, 1, 1], [], []>, transpose_lhs_hint = false} : vector<32x32xf32>, vector<32x1xf32>, vector<32x1xf32> -> vector<32x1xf32>
    %add3A_68 = vector.broadcast %dot_general3A_67 : vector<32x1xf32> to vector<32x128xf32>
    %add3A_69 = arith.addf %add3A_68, %dot_general3A_64 : vector<32x128xf32>
    %sub3A_70 = arith.subf %add3A_69, %convert_element_type3A_62 : vector<32x128xf32>
    %convert_element_type3A_71 = arith.fptosi %sub3A_70 : vector<32x128xf32> to vector<32x128xi32>
    %reduce_sum3A_72 = vector.shape_cast %convert_element_type3A_62 : vector<32x128xf32> to vector<1x32x128xf32>
    %reduce_sum3A_73 = arith.constant dense<0.000000e+00> : vector<1xf32>
    %reduce_sum3A_74 = vector.multi_reduction <add>, %reduce_sum3A_72, %reduce_sum3A_73 [1, 2] : vector<1x32x128xf32> to vector<1xf32>
    %reduce_sum3A_75 = vector.shape_cast %reduce_sum3A_74 : vector<1xf32> to vector<1x1x1xf32>
    %reduce_sum3A_76 = vector.extract %reduce_sum3A_75[0, 0, 0] : f32 from vector<1x1x1xf32>
    %convert_element_type3A_77 = arith.fptosi %reduce_sum3A_76 : f32 to i32
    %mul3A_78 = arith.constant 512 : i32
    %mul3A_79 = arith.muli %mul3A_78, %add3A_53 : i32
    %add3A_80 = vector.broadcast %mul3A_79 : i32 to vector<32x128xi32>
    %add3A_81 = arith.addi %add3A_80, %convert_element_type3A_71 : vector<32x128xi32>
    %select_n3A_82 = arith.select %eq3A_60, %add3A_81, %select_n3A : vector<32x128xi1>, vector<32x128xi32>
    %add3A_83 = arith.constant 512 : i32
    %add3A_84 = arith.addi %convert_element_type3A_77, %add3A_83 : i32
    %sub3A_85 = arith.constant 1 : i32
    %sub3A_86 = arith.subi %add3A_84, %sub3A_85 : i32
    %jit3A_87 = arith.constant 512 : i32
    %div3A_88 = arith.divsi %sub3A_86, %jit3A_87 : i32
    %sign3A_89 = arith.constant 0 : i32
    %sign3A_90 = arith.cmpi sgt, %sub3A_86, %sign3A_89 : i32
    %sign3A_91 = arith.extui %sign3A_90 : i1 to i32
    %sign3A_92 = arith.constant 0 : i32
    %sign3A_93 = arith.cmpi slt, %sub3A_86, %sign3A_92 : i32
    %sign3A_94 = arith.extui %sign3A_93 : i1 to i32
    %sign3A_95 = arith.subi %sign3A_91, %sign3A_94 : i32
    %sign3A_96 = arith.constant 0 : i32
    %sign3A_97 = arith.cmpi sgt, %jit3A_87, %sign3A_96 : i32
    %sign3A_98 = arith.extui %sign3A_97 : i1 to i32
    %sign3A_99 = arith.constant 0 : i32
    %sign3A_100 = arith.cmpi slt, %jit3A_87, %sign3A_99 : i32
    %sign3A_101 = arith.extui %sign3A_100 : i1 to i32
    %sign3A_102 = arith.subi %sign3A_98, %sign3A_101 : i32
    %ne3A_103 = arith.cmpi ne, %sign3A_95, %sign3A_102 : i32
    %rem3A_104 = arith.remsi %sub3A_86, %jit3A_87 : i32
    %ne3A_105 = arith.constant 0 : i32
    %ne3A_106 = arith.cmpi ne, %rem3A_104, %ne3A_105 : i32
    %and3A_107 = arith.andi %ne3A_103, %ne3A_106 : i1
    %sub3A_108 = arith.constant 1 : i32
    %sub3A_109 = arith.subi %div3A_88, %sub3A_108 : i32
    %select_n3A_110 = arith.select %and3A_107, %sub3A_109, %div3A_88 : i32
    %add3A_111 = arith.addi %add3A_53, %select_n3A_110 : i32
    %le3A_112 = vector.broadcast %add3A_111 : i32 to vector<1x16xi32>
    %le3A_113 = arith.cmpi sle, %le3A_112, %iota3A : vector<1x16xi32>
    %convert_element_type3A_114 = arith.extui %le3A_113 : vector<1x16xi1> to vector<1x16xi32>
    %add3A_115 = arith.addi %add3A_57, %convert_element_type3A_114 : vector<1x16xi32>
    %eq3A_116 = arith.constant 2 : i32
    %eq3A_117 = vector.broadcast %eq3A_116 : i32 to vector<32x128xi32>
    %eq3A_118 = arith.cmpi eq, %get3A_1, %eq3A_117 : vector<32x128xi32>
    %convert_element_type3A_119 = arith.extui %eq3A_118 : vector<32x128xi1> to vector<32x128xi32>
    %convert_element_type3A_120 = arith.sitofp %convert_element_type3A_119 : vector<32x128xi32> to vector<32x128xf32>
    %dot_general3A_121 = arith.constant dense<0.000000e+00> : vector<32x128xf32>
    %dot_general3A_122 = tpu.matmul %convert_element_type3A_120, %convert_element_type3A_4, %dot_general3A_121 {dimension_numbers = #tpu.dot_dimension_numbers<[1], [0], [0], [1], [0, 0, 1, 1], [], []>, transpose_lhs_hint = false} : vector<32x128xf32>, vector<128x128xf32>, vector<32x128xf32> -> vector<32x128xf32>
    %slice3A_123 = vector.extract_strided_slice %dot_general3A_122 {offsets = [0, 127], sizes = [32, 1], strides = [1, 1]} : vector<32x128xf32> to vector<32x1xf32>
    %dot_general3A_124 = arith.constant dense<0.000000e+00> : vector<32x1xf32>
    %dot_general3A_125 = tpu.matmul %convert_element_type3A_8, %slice3A_123, %dot_general3A_124 {dimension_numbers = #tpu.dot_dimension_numbers<[1], [0], [0], [1], [0, 0, 1, 1], [], []>, transpose_lhs_hint = false} : vector<32x32xf32>, vector<32x1xf32>, vector<32x1xf32> -> vector<32x1xf32>
    %add3A_126 = vector.broadcast %dot_general3A_125 : vector<32x1xf32> to vector<32x128xf32>
    %add3A_127 = arith.addf %add3A_126, %dot_general3A_122 : vector<32x128xf32>
    %sub3A_128 = arith.subf %add3A_127, %convert_element_type3A_120 : vector<32x128xf32>
    %convert_element_type3A_129 = arith.fptosi %sub3A_128 : vector<32x128xf32> to vector<32x128xi32>
    %reduce_sum3A_130 = vector.shape_cast %convert_element_type3A_120 : vector<32x128xf32> to vector<1x32x128xf32>
    %reduce_sum3A_131 = arith.constant dense<0.000000e+00> : vector<1xf32>
    %reduce_sum3A_132 = vector.multi_reduction <add>, %reduce_sum3A_130, %reduce_sum3A_131 [1, 2] : vector<1x32x128xf32> to vector<1xf32>
    %reduce_sum3A_133 = vector.shape_cast %reduce_sum3A_132 : vector<1xf32> to vector<1x1x1xf32>
    %reduce_sum3A_134 = vector.extract %reduce_sum3A_133[0, 0, 0] : f32 from vector<1x1x1xf32>
    %convert_element_type3A_135 = arith.fptosi %reduce_sum3A_134 : f32 to i32
    %mul3A_136 = arith.constant 512 : i32
    %mul3A_137 = arith.muli %mul3A_136, %add3A_111 : i32
    %add3A_138 = vector.broadcast %mul3A_137 : i32 to vector<32x128xi32>
    %add3A_139 = arith.addi %add3A_138, %convert_element_type3A_129 : vector<32x128xi32>
    %select_n3A_140 = arith.select %eq3A_118, %add3A_139, %select_n3A_82 : vector<32x128xi1>, vector<32x128xi32>
    %add3A_141 = arith.constant 512 : i32
    %add3A_142 = arith.addi %convert_element_type3A_135, %add3A_141 : i32
    %sub3A_143 = arith.constant 1 : i32
    %sub3A_144 = arith.subi %add3A_142, %sub3A_143 : i32
    %jit3A_145 = arith.constant 512 : i32
    %div3A_146 = arith.divsi %sub3A_144, %jit3A_145 : i32
    %sign3A_147 = arith.constant 0 : i32
    %sign3A_148 = arith.cmpi sgt, %sub3A_144, %sign3A_147 : i32
    %sign3A_149 = arith.extui %sign3A_148 : i1 to i32
    %sign3A_150 = arith.constant 0 : i32
    %sign3A_151 = arith.cmpi slt, %sub3A_144, %sign3A_150 : i32
    %sign3A_152 = arith.extui %sign3A_151 : i1 to i32
    %sign3A_153 = arith.subi %sign3A_149, %sign3A_152 : i32
    %sign3A_154 = arith.constant 0 : i32
    %sign3A_155 = arith.cmpi sgt, %jit3A_145, %sign3A_154 : i32
    %sign3A_156 = arith.extui %sign3A_155 : i1 to i32
    %sign3A_157 = arith.constant 0 : i32
    %sign3A_158 = arith.cmpi slt, %jit3A_145, %sign3A_157 : i32
    %sign3A_159 = arith.extui %sign3A_158 : i1 to i32
    %sign3A_160 = arith.subi %sign3A_156, %sign3A_159 : i32
    %ne3A_161 = arith.cmpi ne, %sign3A_153, %sign3A_160 : i32
    %rem3A_162 = arith.remsi %sub3A_144, %jit3A_145 : i32
    %ne3A_163 = arith.constant 0 : i32
    %ne3A_164 = arith.cmpi ne, %rem3A_162, %ne3A_163 : i32
    %and3A_165 = arith.andi %ne3A_161, %ne3A_164 : i1
    %sub3A_166 = arith.constant 1 : i32
    %sub3A_167 = arith.subi %div3A_146, %sub3A_166 : i32
    %select_n3A_168 = arith.select %and3A_165, %sub3A_167, %div3A_146 : i32
    %add3A_169 = arith.addi %add3A_111, %select_n3A_168 : i32
    %le3A_170 = vector.broadcast %add3A_169 : i32 to vector<1x16xi32>
    %le3A_171 = arith.cmpi sle, %le3A_170, %iota3A : vector<1x16xi32>
    %convert_element_type3A_172 = arith.extui %le3A_171 : vector<1x16xi1> to vector<1x16xi32>
    %add3A_173 = arith.addi %add3A_115, %convert_element_type3A_172 : vector<1x16xi32>
    %eq3A_174 = arith.constant 3 : i32
    %eq3A_175 = vector.broadcast %eq3A_174 : i32 to vector<32x128xi32>
    %eq3A_176 = arith.cmpi eq, %get3A_1, %eq3A_175 : vector<32x128xi32>
    %convert_element_type3A_177 = arith.extui %eq3A_176 : vector<32x128xi1> to vector<32x128xi32>
    %convert_element_type3A_178 = arith.sitofp %convert_element_type3A_177 : vector<32x128xi32> to vector<32x128xf32>
    %dot_general3A_179 = arith.constant dense<0.000000e+00> : vector<32x128xf32>
    %dot_general3A_180 = tpu.matmul %convert_element_type3A_178, %convert_element_type3A_4, %dot_general3A_179 {dimension_numbers = #tpu.dot_dimension_numbers<[1], [0], [0], [1], [0, 0, 1, 1], [], []>, transpose_lhs_hint = false} : vector<32x128xf32>, vector<128x128xf32>, vector<32x128xf32> -> vector<32x128xf32>
    %slice3A_181 = vector.extract_strided_slice %dot_general3A_180 {offsets = [0, 127], sizes = [32, 1], strides = [1, 1]} : vector<32x128xf32> to vector<32x1xf32>
    %dot_general3A_182 = arith.constant dense<0.000000e+00> : vector<32x1xf32>
    %dot_general3A_183 = tpu.matmul %convert_element_type3A_8, %slice3A_181, %dot_general3A_182 {dimension_numbers = #tpu.dot_dimension_numbers<[1], [0], [0], [1], [0, 0, 1, 1], [], []>, transpose_lhs_hint = false} : vector<32x32xf32>, vector<32x1xf32>, vector<32x1xf32> -> vector<32x1xf32>
    %add3A_184 = vector.broadcast %dot_general3A_183 : vector<32x1xf32> to vector<32x128xf32>
    %add3A_185 = arith.addf %add3A_184, %dot_general3A_180 : vector<32x128xf32>
    %sub3A_186 = arith.subf %add3A_185, %convert_element_type3A_178 : vector<32x128xf32>
    %convert_element_type3A_187 = arith.fptosi %sub3A_186 : vector<32x128xf32> to vector<32x128xi32>
    %reduce_sum3A_188 = vector.shape_cast %convert_element_type3A_178 : vector<32x128xf32> to vector<1x32x128xf32>
    %reduce_sum3A_189 = arith.constant dense<0.000000e+00> : vector<1xf32>
    %reduce_sum3A_190 = vector.multi_reduction <add>, %reduce_sum3A_188, %reduce_sum3A_189 [1, 2] : vector<1x32x128xf32> to vector<1xf32>
    %reduce_sum3A_191 = vector.shape_cast %reduce_sum3A_190 : vector<1xf32> to vector<1x1x1xf32>
    %reduce_sum3A_192 = vector.extract %reduce_sum3A_191[0, 0, 0] : f32 from vector<1x1x1xf32>
    %convert_element_type3A_193 = arith.fptosi %reduce_sum3A_192 : f32 to i32
    %mul3A_194 = arith.constant 512 : i32
    %mul3A_195 = arith.muli %mul3A_194, %add3A_169 : i32
    %add3A_196 = vector.broadcast %mul3A_195 : i32 to vector<32x128xi32>
    %add3A_197 = arith.addi %add3A_196, %convert_element_type3A_187 : vector<32x128xi32>
    %select_n3A_198 = arith.select %eq3A_176, %add3A_197, %select_n3A_140 : vector<32x128xi1>, vector<32x128xi32>
    %add3A_199 = arith.constant 512 : i32
    %add3A_200 = arith.addi %convert_element_type3A_193, %add3A_199 : i32
    %sub3A_201 = arith.constant 1 : i32
    %sub3A_202 = arith.subi %add3A_200, %sub3A_201 : i32
    %jit3A_203 = arith.constant 512 : i32
    %div3A_204 = arith.divsi %sub3A_202, %jit3A_203 : i32
    %sign3A_205 = arith.constant 0 : i32
    %sign3A_206 = arith.cmpi sgt, %sub3A_202, %sign3A_205 : i32
    %sign3A_207 = arith.extui %sign3A_206 : i1 to i32
    %sign3A_208 = arith.constant 0 : i32
    %sign3A_209 = arith.cmpi slt, %sub3A_202, %sign3A_208 : i32
    %sign3A_210 = arith.extui %sign3A_209 : i1 to i32
    %sign3A_211 = arith.subi %sign3A_207, %sign3A_210 : i32
    %sign3A_212 = arith.constant 0 : i32
    %sign3A_213 = arith.cmpi sgt, %jit3A_203, %sign3A_212 : i32
    %sign3A_214 = arith.extui %sign3A_213 : i1 to i32
    %sign3A_215 = arith.constant 0 : i32
    %sign3A_216 = arith.cmpi slt, %jit3A_203, %sign3A_215 : i32
    %sign3A_217 = arith.extui %sign3A_216 : i1 to i32
    %sign3A_218 = arith.subi %sign3A_214, %sign3A_217 : i32
    %ne3A_219 = arith.cmpi ne, %sign3A_211, %sign3A_218 : i32
    %rem3A_220 = arith.remsi %sub3A_202, %jit3A_203 : i32
    %ne3A_221 = arith.constant 0 : i32
    %ne3A_222 = arith.cmpi ne, %rem3A_220, %ne3A_221 : i32
    %and3A_223 = arith.andi %ne3A_219, %ne3A_222 : i1
    %sub3A_224 = arith.constant 1 : i32
    %sub3A_225 = arith.subi %div3A_204, %sub3A_224 : i32
    %select_n3A_226 = arith.select %and3A_223, %sub3A_225, %div3A_204 : i32
    %add3A_227 = arith.addi %add3A_169, %select_n3A_226 : i32
    %le3A_228 = vector.broadcast %add3A_227 : i32 to vector<1x16xi32>
    %le3A_229 = arith.cmpi sle, %le3A_228, %iota3A : vector<1x16xi32>
    %convert_element_type3A_230 = arith.extui %le3A_229 : vector<1x16xi1> to vector<1x16xi32>
    %add3A_231 = arith.addi %add3A_173, %convert_element_type3A_230 : vector<1x16xi32>
    %eq3A_232 = arith.constant 4 : i32
    %eq3A_233 = vector.broadcast %eq3A_232 : i32 to vector<32x128xi32>
    %eq3A_234 = arith.cmpi eq, %get3A_1, %eq3A_233 : vector<32x128xi32>
    %convert_element_type3A_235 = arith.extui %eq3A_234 : vector<32x128xi1> to vector<32x128xi32>
    %convert_element_type3A_236 = arith.sitofp %convert_element_type3A_235 : vector<32x128xi32> to vector<32x128xf32>
    %dot_general3A_237 = arith.constant dense<0.000000e+00> : vector<32x128xf32>
    %dot_general3A_238 = tpu.matmul %convert_element_type3A_236, %convert_element_type3A_4, %dot_general3A_237 {dimension_numbers = #tpu.dot_dimension_numbers<[1], [0], [0], [1], [0, 0, 1, 1], [], []>, transpose_lhs_hint = false} : vector<32x128xf32>, vector<128x128xf32>, vector<32x128xf32> -> vector<32x128xf32>
    %slice3A_239 = vector.extract_strided_slice %dot_general3A_238 {offsets = [0, 127], sizes = [32, 1], strides = [1, 1]} : vector<32x128xf32> to vector<32x1xf32>
    %dot_general3A_240 = arith.constant dense<0.000000e+00> : vector<32x1xf32>
    %dot_general3A_241 = tpu.matmul %convert_element_type3A_8, %slice3A_239, %dot_general3A_240 {dimension_numbers = #tpu.dot_dimension_numbers<[1], [0], [0], [1], [0, 0, 1, 1], [], []>, transpose_lhs_hint = false} : vector<32x32xf32>, vector<32x1xf32>, vector<32x1xf32> -> vector<32x1xf32>
    %add3A_242 = vector.broadcast %dot_general3A_241 : vector<32x1xf32> to vector<32x128xf32>
    %add3A_243 = arith.addf %add3A_242, %dot_general3A_238 : vector<32x128xf32>
    %sub3A_244 = arith.subf %add3A_243, %convert_element_type3A_236 : vector<32x128xf32>
    %convert_element_type3A_245 = arith.fptosi %sub3A_244 : vector<32x128xf32> to vector<32x128xi32>
    %reduce_sum3A_246 = vector.shape_cast %convert_element_type3A_236 : vector<32x128xf32> to vector<1x32x128xf32>
    %reduce_sum3A_247 = arith.constant dense<0.000000e+00> : vector<1xf32>
    %reduce_sum3A_248 = vector.multi_reduction <add>, %reduce_sum3A_246, %reduce_sum3A_247 [1, 2] : vector<1x32x128xf32> to vector<1xf32>
    %reduce_sum3A_249 = vector.shape_cast %reduce_sum3A_248 : vector<1xf32> to vector<1x1x1xf32>
    %reduce_sum3A_250 = vector.extract %reduce_sum3A_249[0, 0, 0] : f32 from vector<1x1x1xf32>
    %convert_element_type3A_251 = arith.fptosi %reduce_sum3A_250 : f32 to i32
    %mul3A_252 = arith.constant 512 : i32
    %mul3A_253 = arith.muli %mul3A_252, %add3A_227 : i32
    %add3A_254 = vector.broadcast %mul3A_253 : i32 to vector<32x128xi32>
    %add3A_255 = arith.addi %add3A_254, %convert_element_type3A_245 : vector<32x128xi32>
    %select_n3A_256 = arith.select %eq3A_234, %add3A_255, %select_n3A_198 : vector<32x128xi1>, vector<32x128xi32>
    %add3A_257 = arith.constant 512 : i32
    %add3A_258 = arith.addi %convert_element_type3A_251, %add3A_257 : i32
    %sub3A_259 = arith.constant 1 : i32
    %sub3A_260 = arith.subi %add3A_258, %sub3A_259 : i32
    %jit3A_261 = arith.constant 512 : i32
    %div3A_262 = arith.divsi %sub3A_260, %jit3A_261 : i32
    %sign3A_263 = arith.constant 0 : i32
    %sign3A_264 = arith.cmpi sgt, %sub3A_260, %sign3A_263 : i32
    %sign3A_265 = arith.extui %sign3A_264 : i1 to i32
    %sign3A_266 = arith.constant 0 : i32
    %sign3A_267 = arith.cmpi slt, %sub3A_260, %sign3A_266 : i32
    %sign3A_268 = arith.extui %sign3A_267 : i1 to i32
    %sign3A_269 = arith.subi %sign3A_265, %sign3A_268 : i32
    %sign3A_270 = arith.constant 0 : i32
    %sign3A_271 = arith.cmpi sgt, %jit3A_261, %sign3A_270 : i32
    %sign3A_272 = arith.extui %sign3A_271 : i1 to i32
    %sign3A_273 = arith.constant 0 : i32
    %sign3A_274 = arith.cmpi slt, %jit3A_261, %sign3A_273 : i32
    %sign3A_275 = arith.extui %sign3A_274 : i1 to i32
    %sign3A_276 = arith.subi %sign3A_272, %sign3A_275 : i32
    %ne3A_277 = arith.cmpi ne, %sign3A_269, %sign3A_276 : i32
    %rem3A_278 = arith.remsi %sub3A_260, %jit3A_261 : i32
    %ne3A_279 = arith.constant 0 : i32
    %ne3A_280 = arith.cmpi ne, %rem3A_278, %ne3A_279 : i32
    %and3A_281 = arith.andi %ne3A_277, %ne3A_280 : i1
    %sub3A_282 = arith.constant 1 : i32
    %sub3A_283 = arith.subi %div3A_262, %sub3A_282 : i32
    %select_n3A_284 = arith.select %and3A_281, %sub3A_283, %div3A_262 : i32
    %add3A_285 = arith.addi %add3A_227, %select_n3A_284 : i32
    %le3A_286 = vector.broadcast %add3A_285 : i32 to vector<1x16xi32>
    %le3A_287 = arith.cmpi sle, %le3A_286, %iota3A : vector<1x16xi32>
    %convert_element_type3A_288 = arith.extui %le3A_287 : vector<1x16xi1> to vector<1x16xi32>
    %add3A_289 = arith.addi %add3A_231, %convert_element_type3A_288 : vector<1x16xi32>
    %eq3A_290 = arith.constant 5 : i32
    %eq3A_291 = vector.broadcast %eq3A_290 : i32 to vector<32x128xi32>
    %eq3A_292 = arith.cmpi eq, %get3A_1, %eq3A_291 : vector<32x128xi32>
    %convert_element_type3A_293 = arith.extui %eq3A_292 : vector<32x128xi1> to vector<32x128xi32>
    %convert_element_type3A_294 = arith.sitofp %convert_element_type3A_293 : vector<32x128xi32> to vector<32x128xf32>
    %dot_general3A_295 = arith.constant dense<0.000000e+00> : vector<32x128xf32>
    %dot_general3A_296 = tpu.matmul %convert_element_type3A_294, %convert_element_type3A_4, %dot_general3A_295 {dimension_numbers = #tpu.dot_dimension_numbers<[1], [0], [0], [1], [0, 0, 1, 1], [], []>, transpose_lhs_hint = false} : vector<32x128xf32>, vector<128x128xf32>, vector<32x128xf32> -> vector<32x128xf32>
    %slice3A_297 = vector.extract_strided_slice %dot_general3A_296 {offsets = [0, 127], sizes = [32, 1], strides = [1, 1]} : vector<32x128xf32> to vector<32x1xf32>
    %dot_general3A_298 = arith.constant dense<0.000000e+00> : vector<32x1xf32>
    %dot_general3A_299 = tpu.matmul %convert_element_type3A_8, %slice3A_297, %dot_general3A_298 {dimension_numbers = #tpu.dot_dimension_numbers<[1], [0], [0], [1], [0, 0, 1, 1], [], []>, transpose_lhs_hint = false} : vector<32x32xf32>, vector<32x1xf32>, vector<32x1xf32> -> vector<32x1xf32>
    %add3A_300 = vector.broadcast %dot_general3A_299 : vector<32x1xf32> to vector<32x128xf32>
    %add3A_301 = arith.addf %add3A_300, %dot_general3A_296 : vector<32x128xf32>
    %sub3A_302 = arith.subf %add3A_301, %convert_element_type3A_294 : vector<32x128xf32>
    %convert_element_type3A_303 = arith.fptosi %sub3A_302 : vector<32x128xf32> to vector<32x128xi32>
    %reduce_sum3A_304 = vector.shape_cast %convert_element_type3A_294 : vector<32x128xf32> to vector<1x32x128xf32>
    %reduce_sum3A_305 = arith.constant dense<0.000000e+00> : vector<1xf32>
    %reduce_sum3A_306 = vector.multi_reduction <add>, %reduce_sum3A_304, %reduce_sum3A_305 [1, 2] : vector<1x32x128xf32> to vector<1xf32>
    %reduce_sum3A_307 = vector.shape_cast %reduce_sum3A_306 : vector<1xf32> to vector<1x1x1xf32>
    %reduce_sum3A_308 = vector.extract %reduce_sum3A_307[0, 0, 0] : f32 from vector<1x1x1xf32>
    %convert_element_type3A_309 = arith.fptosi %reduce_sum3A_308 : f32 to i32
    %mul3A_310 = arith.constant 512 : i32
    %mul3A_311 = arith.muli %mul3A_310, %add3A_285 : i32
    %add3A_312 = vector.broadcast %mul3A_311 : i32 to vector<32x128xi32>
    %add3A_313 = arith.addi %add3A_312, %convert_element_type3A_303 : vector<32x128xi32>
    %select_n3A_314 = arith.select %eq3A_292, %add3A_313, %select_n3A_256 : vector<32x128xi1>, vector<32x128xi32>
    %add3A_315 = arith.constant 512 : i32
    %add3A_316 = arith.addi %convert_element_type3A_309, %add3A_315 : i32
    %sub3A_317 = arith.constant 1 : i32
    %sub3A_318 = arith.subi %add3A_316, %sub3A_317 : i32
    %jit3A_319 = arith.constant 512 : i32
    %div3A_320 = arith.divsi %sub3A_318, %jit3A_319 : i32
    %sign3A_321 = arith.constant 0 : i32
    %sign3A_322 = arith.cmpi sgt, %sub3A_318, %sign3A_321 : i32
    %sign3A_323 = arith.extui %sign3A_322 : i1 to i32
    %sign3A_324 = arith.constant 0 : i32
    %sign3A_325 = arith.cmpi slt, %sub3A_318, %sign3A_324 : i32
    %sign3A_326 = arith.extui %sign3A_325 : i1 to i32
    %sign3A_327 = arith.subi %sign3A_323, %sign3A_326 : i32
    %sign3A_328 = arith.constant 0 : i32
    %sign3A_329 = arith.cmpi sgt, %jit3A_319, %sign3A_328 : i32
    %sign3A_330 = arith.extui %sign3A_329 : i1 to i32
    %sign3A_331 = arith.constant 0 : i32
    %sign3A_332 = arith.cmpi slt, %jit3A_319, %sign3A_331 : i32
    %sign3A_333 = arith.extui %sign3A_332 : i1 to i32
    %sign3A_334 = arith.subi %sign3A_330, %sign3A_333 : i32
    %ne3A_335 = arith.cmpi ne, %sign3A_327, %sign3A_334 : i32
    %rem3A_336 = arith.remsi %sub3A_318, %jit3A_319 : i32
    %ne3A_337 = arith.constant 0 : i32
    %ne3A_338 = arith.cmpi ne, %rem3A_336, %ne3A_337 : i32
    %and3A_339 = arith.andi %ne3A_335, %ne3A_338 : i1
    %sub3A_340 = arith.constant 1 : i32
    %sub3A_341 = arith.subi %div3A_320, %sub3A_340 : i32
    %select_n3A_342 = arith.select %and3A_339, %sub3A_341, %div3A_320 : i32
    %add3A_343 = arith.addi %add3A_285, %select_n3A_342 : i32
    %le3A_344 = vector.broadcast %add3A_343 : i32 to vector<1x16xi32>
    %le3A_345 = arith.cmpi sle, %le3A_344, %iota3A : vector<1x16xi32>
    %convert_element_type3A_346 = arith.extui %le3A_345 : vector<1x16xi1> to vector<1x16xi32>
    %add3A_347 = arith.addi %add3A_289, %convert_element_type3A_346 : vector<1x16xi32>
    %eq3A_348 = arith.constant 6 : i32
    %eq3A_349 = vector.broadcast %eq3A_348 : i32 to vector<32x128xi32>
    %eq3A_350 = arith.cmpi eq, %get3A_1, %eq3A_349 : vector<32x128xi32>
    %convert_element_type3A_351 = arith.extui %eq3A_350 : vector<32x128xi1> to vector<32x128xi32>
    %convert_element_type3A_352 = arith.sitofp %convert_element_type3A_351 : vector<32x128xi32> to vector<32x128xf32>
    %dot_general3A_353 = arith.constant dense<0.000000e+00> : vector<32x128xf32>
    %dot_general3A_354 = tpu.matmul %convert_element_type3A_352, %convert_element_type3A_4, %dot_general3A_353 {dimension_numbers = #tpu.dot_dimension_numbers<[1], [0], [0], [1], [0, 0, 1, 1], [], []>, transpose_lhs_hint = false} : vector<32x128xf32>, vector<128x128xf32>, vector<32x128xf32> -> vector<32x128xf32>
    %slice3A_355 = vector.extract_strided_slice %dot_general3A_354 {offsets = [0, 127], sizes = [32, 1], strides = [1, 1]} : vector<32x128xf32> to vector<32x1xf32>
    %dot_general3A_356 = arith.constant dense<0.000000e+00> : vector<32x1xf32>
    %dot_general3A_357 = tpu.matmul %convert_element_type3A_8, %slice3A_355, %dot_general3A_356 {dimension_numbers = #tpu.dot_dimension_numbers<[1], [0], [0], [1], [0, 0, 1, 1], [], []>, transpose_lhs_hint = false} : vector<32x32xf32>, vector<32x1xf32>, vector<32x1xf32> -> vector<32x1xf32>
    %add3A_358 = vector.broadcast %dot_general3A_357 : vector<32x1xf32> to vector<32x128xf32>
    %add3A_359 = arith.addf %add3A_358, %dot_general3A_354 : vector<32x128xf32>
    %sub3A_360 = arith.subf %add3A_359, %convert_element_type3A_352 : vector<32x128xf32>
    %convert_element_type3A_361 = arith.fptosi %sub3A_360 : vector<32x128xf32> to vector<32x128xi32>
    %reduce_sum3A_362 = vector.shape_cast %convert_element_type3A_352 : vector<32x128xf32> to vector<1x32x128xf32>
    %reduce_sum3A_363 = arith.constant dense<0.000000e+00> : vector<1xf32>
    %reduce_sum3A_364 = vector.multi_reduction <add>, %reduce_sum3A_362, %reduce_sum3A_363 [1, 2] : vector<1x32x128xf32> to vector<1xf32>
    %reduce_sum3A_365 = vector.shape_cast %reduce_sum3A_364 : vector<1xf32> to vector<1x1x1xf32>
    %reduce_sum3A_366 = vector.extract %reduce_sum3A_365[0, 0, 0] : f32 from vector<1x1x1xf32>
    %convert_element_type3A_367 = arith.fptosi %reduce_sum3A_366 : f32 to i32
    %mul3A_368 = arith.constant 512 : i32
    %mul3A_369 = arith.muli %mul3A_368, %add3A_343 : i32
    %add3A_370 = vector.broadcast %mul3A_369 : i32 to vector<32x128xi32>
    %add3A_371 = arith.addi %add3A_370, %convert_element_type3A_361 : vector<32x128xi32>
    %select_n3A_372 = arith.select %eq3A_350, %add3A_371, %select_n3A_314 : vector<32x128xi1>, vector<32x128xi32>
    %add3A_373 = arith.constant 512 : i32
    %add3A_374 = arith.addi %convert_element_type3A_367, %add3A_373 : i32
    %sub3A_375 = arith.constant 1 : i32
    %sub3A_376 = arith.subi %add3A_374, %sub3A_375 : i32
    %jit3A_377 = arith.constant 512 : i32
    %div3A_378 = arith.divsi %sub3A_376, %jit3A_377 : i32
    %sign3A_379 = arith.constant 0 : i32
    %sign3A_380 = arith.cmpi sgt, %sub3A_376, %sign3A_379 : i32
    %sign3A_381 = arith.extui %sign3A_380 : i1 to i32
    %sign3A_382 = arith.constant 0 : i32
    %sign3A_383 = arith.cmpi slt, %sub3A_376, %sign3A_382 : i32
    %sign3A_384 = arith.extui %sign3A_383 : i1 to i32
    %sign3A_385 = arith.subi %sign3A_381, %sign3A_384 : i32
    %sign3A_386 = arith.constant 0 : i32
    %sign3A_387 = arith.cmpi sgt, %jit3A_377, %sign3A_386 : i32
    %sign3A_388 = arith.extui %sign3A_387 : i1 to i32
    %sign3A_389 = arith.constant 0 : i32
    %sign3A_390 = arith.cmpi slt, %jit3A_377, %sign3A_389 : i32
    %sign3A_391 = arith.extui %sign3A_390 : i1 to i32
    %sign3A_392 = arith.subi %sign3A_388, %sign3A_391 : i32
    %ne3A_393 = arith.cmpi ne, %sign3A_385, %sign3A_392 : i32
    %rem3A_394 = arith.remsi %sub3A_376, %jit3A_377 : i32
    %ne3A_395 = arith.constant 0 : i32
    %ne3A_396 = arith.cmpi ne, %rem3A_394, %ne3A_395 : i32
    %and3A_397 = arith.andi %ne3A_393, %ne3A_396 : i1
    %sub3A_398 = arith.constant 1 : i32
    %sub3A_399 = arith.subi %div3A_378, %sub3A_398 : i32
    %select_n3A_400 = arith.select %and3A_397, %sub3A_399, %div3A_378 : i32
    %add3A_401 = arith.addi %add3A_343, %select_n3A_400 : i32
    %le3A_402 = vector.broadcast %add3A_401 : i32 to vector<1x16xi32>
    %le3A_403 = arith.cmpi sle, %le3A_402, %iota3A : vector<1x16xi32>
    %convert_element_type3A_404 = arith.extui %le3A_403 : vector<1x16xi1> to vector<1x16xi32>
    %add3A_405 = arith.addi %add3A_347, %convert_element_type3A_404 : vector<1x16xi32>
    %eq3A_406 = arith.constant 7 : i32
    %eq3A_407 = vector.broadcast %eq3A_406 : i32 to vector<32x128xi32>
    %eq3A_408 = arith.cmpi eq, %get3A_1, %eq3A_407 : vector<32x128xi32>
    %convert_element_type3A_409 = arith.extui %eq3A_408 : vector<32x128xi1> to vector<32x128xi32>
    %convert_element_type3A_410 = arith.sitofp %convert_element_type3A_409 : vector<32x128xi32> to vector<32x128xf32>
    %dot_general3A_411 = arith.constant dense<0.000000e+00> : vector<32x128xf32>
    %dot_general3A_412 = tpu.matmul %convert_element_type3A_410, %convert_element_type3A_4, %dot_general3A_411 {dimension_numbers = #tpu.dot_dimension_numbers<[1], [0], [0], [1], [0, 0, 1, 1], [], []>, transpose_lhs_hint = false} : vector<32x128xf32>, vector<128x128xf32>, vector<32x128xf32> -> vector<32x128xf32>
    %slice3A_413 = vector.extract_strided_slice %dot_general3A_412 {offsets = [0, 127], sizes = [32, 1], strides = [1, 1]} : vector<32x128xf32> to vector<32x1xf32>
    %dot_general3A_414 = arith.constant dense<0.000000e+00> : vector<32x1xf32>
    %dot_general3A_415 = tpu.matmul %convert_element_type3A_8, %slice3A_413, %dot_general3A_414 {dimension_numbers = #tpu.dot_dimension_numbers<[1], [0], [0], [1], [0, 0, 1, 1], [], []>, transpose_lhs_hint = false} : vector<32x32xf32>, vector<32x1xf32>, vector<32x1xf32> -> vector<32x1xf32>
    %add3A_416 = vector.broadcast %dot_general3A_415 : vector<32x1xf32> to vector<32x128xf32>
    %add3A_417 = arith.addf %add3A_416, %dot_general3A_412 : vector<32x128xf32>
    %sub3A_418 = arith.subf %add3A_417, %convert_element_type3A_410 : vector<32x128xf32>
    %convert_element_type3A_419 = arith.fptosi %sub3A_418 : vector<32x128xf32> to vector<32x128xi32>
    %reduce_sum3A_420 = vector.shape_cast %convert_element_type3A_410 : vector<32x128xf32> to vector<1x32x128xf32>
    %reduce_sum3A_421 = arith.constant dense<0.000000e+00> : vector<1xf32>
    %reduce_sum3A_422 = vector.multi_reduction <add>, %reduce_sum3A_420, %reduce_sum3A_421 [1, 2] : vector<1x32x128xf32> to vector<1xf32>
    %reduce_sum3A_423 = vector.shape_cast %reduce_sum3A_422 : vector<1xf32> to vector<1x1x1xf32>
    %reduce_sum3A_424 = vector.extract %reduce_sum3A_423[0, 0, 0] : f32 from vector<1x1x1xf32>
    %convert_element_type3A_425 = arith.fptosi %reduce_sum3A_424 : f32 to i32
    %mul3A_426 = arith.constant 512 : i32
    %mul3A_427 = arith.muli %mul3A_426, %add3A_401 : i32
    %add3A_428 = vector.broadcast %mul3A_427 : i32 to vector<32x128xi32>
    %add3A_429 = arith.addi %add3A_428, %convert_element_type3A_419 : vector<32x128xi32>
    %select_n3A_430 = arith.select %eq3A_408, %add3A_429, %select_n3A_372 : vector<32x128xi1>, vector<32x128xi32>
    %add3A_431 = arith.constant 512 : i32
    %add3A_432 = arith.addi %convert_element_type3A_425, %add3A_431 : i32
    %sub3A_433 = arith.constant 1 : i32
    %sub3A_434 = arith.subi %add3A_432, %sub3A_433 : i32
    %jit3A_435 = arith.constant 512 : i32
    %div3A_436 = arith.divsi %sub3A_434, %jit3A_435 : i32
    %sign3A_437 = arith.constant 0 : i32
    %sign3A_438 = arith.cmpi sgt, %sub3A_434, %sign3A_437 : i32
    %sign3A_439 = arith.extui %sign3A_438 : i1 to i32
    %sign3A_440 = arith.constant 0 : i32
    %sign3A_441 = arith.cmpi slt, %sub3A_434, %sign3A_440 : i32
    %sign3A_442 = arith.extui %sign3A_441 : i1 to i32
    %sign3A_443 = arith.subi %sign3A_439, %sign3A_442 : i32
    %sign3A_444 = arith.constant 0 : i32
    %sign3A_445 = arith.cmpi sgt, %jit3A_435, %sign3A_444 : i32
    %sign3A_446 = arith.extui %sign3A_445 : i1 to i32
    %sign3A_447 = arith.constant 0 : i32
    %sign3A_448 = arith.cmpi slt, %jit3A_435, %sign3A_447 : i32
    %sign3A_449 = arith.extui %sign3A_448 : i1 to i32
    %sign3A_450 = arith.subi %sign3A_446, %sign3A_449 : i32
    %ne3A_451 = arith.cmpi ne, %sign3A_443, %sign3A_450 : i32
    %rem3A_452 = arith.remsi %sub3A_434, %jit3A_435 : i32
    %ne3A_453 = arith.constant 0 : i32
    %ne3A_454 = arith.cmpi ne, %rem3A_452, %ne3A_453 : i32
    %and3A_455 = arith.andi %ne3A_451, %ne3A_454 : i1
    %sub3A_456 = arith.constant 1 : i32
    %sub3A_457 = arith.subi %div3A_436, %sub3A_456 : i32
    %select_n3A_458 = arith.select %and3A_455, %sub3A_457, %div3A_436 : i32
    %add3A_459 = arith.addi %add3A_401, %select_n3A_458 : i32
    %le3A_460 = vector.broadcast %add3A_459 : i32 to vector<1x16xi32>
    %le3A_461 = arith.cmpi sle, %le3A_460, %iota3A : vector<1x16xi32>
    %convert_element_type3A_462 = arith.extui %le3A_461 : vector<1x16xi1> to vector<1x16xi32>
    %add3A_463 = arith.addi %add3A_405, %convert_element_type3A_462 : vector<1x16xi32>
    %swap3A = arith.constant 0 : index
    %swap3A_464 = arith.constant 0 : index
    %swap3A_465 = vector.load %arg1[%swap3A, %swap3A_464] : memref<32x128xi32, #tpu.memory_space<vmem>>, vector<32x128xi32>
    tpu.vector_store %arg1[%swap3A, %swap3A_464], %select_n3A_430 {strides = array<i32>} : memref<32x128xi32, #tpu.memory_space<vmem>>, vector<32x128xi32>,
    %broadcast_in_dim3A_466 = vector.broadcast %add3A_459 : i32 to vector<1x1xi32>
    %swap3A_467 = arith.constant 0 : index
    %swap3A_468 = arith.constant 0 : index
    %swap3A_469 = vector.load %arg2[%swap3A_467, %swap3A_468] : memref<1x1xi32, #tpu.memory_space<vmem>>, vector<1x1xi32>
    tpu.vector_store %arg2[%swap3A_467, %swap3A_468], %broadcast_in_dim3A_466 {strides = array<i32>} : memref<1x1xi32, #tpu.memory_space<vmem>>, vector<1x1xi32>,
    %min3A = arith.constant 7 : i32
    %min3A_470 = vector.broadcast %min3A : i32 to vector<1x16xi32>
    %min3A_471 = arith.minsi %add3A_463, %min3A_470 : vector<1x16xi32>
    %swap3A_472 = arith.constant 0 : index
    %swap3A_473 = arith.constant 0 : index
    %swap3A_474 = vector.load %arg3[%swap3A_472, %swap3A_473] : memref<1x16xi32, #tpu.memory_space<vmem>>, vector<1x16xi32>
    tpu.vector_store %arg3[%swap3A_472, %swap3A_473], %min3A_471 {strides = array<i32>} : memref<1x16xi32, #tpu.memory_space<vmem>>, vector<1x16xi32>,
    return
  }
}

module attributes {stable_mosaic.version = 14 : i64} {
  func.func @_mm_body(%arg0: i32, %arg1: memref<1xi32, #tpu.memory_space<smem>>, %arg2: memref<16xi32, #tpu.memory_space<smem>>, %arg3: memref<512x1024xf32, #tpu.memory_space<vmem>>, %arg4: memref<1x512x1024xf32, #tpu.memory_space<vmem>>, %arg5: memref<1x1x512xf32, #tpu.memory_space<vmem>>, %arg6: memref<512x512xf32, #tpu.memory_space<vmem>>) attributes {dimension_semantics = [#tpu.dimension_semantics<arbitrary>], iteration_bounds = array<i64: 16>, scalar_prefetch = 2 : i64, scratch_operands = 0 : i64, tpu.core_type = #tpu.core_type<tc>, window_params = [{transform_indices = @transform_0, window_bounds = array<i64: 512, 1024>}, {transform_indices = @transform_1, window_bounds = array<i64: 1, 512, 1024>}, {transform_indices = @transform_2, window_bounds = array<i64: 1, 1, 512>}, {transform_indices = @transform_3, window_bounds = array<i64: 512, 512>}]} {
    %get3A = arith.constant 0 : index
    %get3A_0 = memref.load %arg1[%get3A] : memref<1xi32, #tpu.memory_space<smem>>
    %lt3A = arith.cmpi slt, %arg0, %get3A_0 : i32
    %convert_element_type3A = arith.extui %lt3A : i1 to i32
    %cond3A = arith.constant 0 : i32
    %cond3A_1 = arith.cmpi ne, %convert_element_type3A, %cond3A : i32
    scf.if %cond3A_1 {
      %get3A_2 = arith.constant 0 : index
      %get3A_3 = arith.constant 0 : index
      %get3A_4 = vector.load %arg3[%get3A_2, %get3A_3] : memref<512x1024xf32, #tpu.memory_space<vmem>>, vector<512x1024xf32>
      %get3A_5 = arith.constant 0 : index
      %get3A_6 = arith.constant 0 : index
      %get3A_7 = arith.constant 0 : index
      %get3A_8 = vector.load %arg4[%get3A_5, %get3A_6, %get3A_7] : memref<1x512x1024xf32, #tpu.memory_space<vmem>>, vector<1x512x1024xf32>
      %get3A_9 = vector.shape_cast %get3A_8 : vector<1x512x1024xf32> to vector<512x1024xf32>
      %dot_general3A = arith.constant dense<0.000000e+00> : vector<512x512xf32>
      %dot_general3A_10 = tpu.matmul %get3A_4, %get3A_9, %dot_general3A {dimension_numbers = #tpu.dot_dimension_numbers<[1], [1], [0], [0], [0, 0, 1, 0], [], []>, transpose_lhs_hint = false} : vector<512x1024xf32>, vector<512x1024xf32>, vector<512x512xf32> -> vector<512x512xf32>
      %get3A_11 = arith.constant 0 : index
      %get3A_12 = arith.constant 0 : index
      %get3A_13 = arith.constant 0 : index
      %get3A_14 = vector.load %arg5[%get3A_11, %get3A_12, %get3A_13] : memref<1x1x512xf32, #tpu.memory_space<vmem>>, vector<1x1x512xf32>
      %get3A_15 = vector.shape_cast %get3A_14 : vector<1x1x512xf32> to vector<512xf32>
      %broadcast_in_dim3A = vector.shape_cast %get3A_15 : vector<512xf32> to vector<1x512xf32>
      %add3A = vector.broadcast %broadcast_in_dim3A : vector<1x512xf32> to vector<512x512xf32>
      %add3A_16 = arith.addf %dot_general3A_10, %add3A : vector<512x512xf32>
      %swap3A = arith.constant 0 : index
      %swap3A_17 = arith.constant 0 : index
      %swap3A_18 = vector.load %arg6[%swap3A, %swap3A_17] : memref<512x512xf32, #tpu.memory_space<vmem>>, vector<512x512xf32>
      tpu.vector_store %arg6[%swap3A, %swap3A_17], %add3A_16 {strides = array<i32>} : memref<512x512xf32, #tpu.memory_space<vmem>>, vector<512x512xf32>,
    } else {
    }
    return
  }
  func.func @transform_0(%arg0: i32, %arg1: memref<1xi32, #tpu.memory_space<smem>>, %arg2: memref<16xi32, #tpu.memory_space<smem>>) -> (i32, i32) {
    %get3A = arith.constant 0 : index
    %get3A_0 = memref.load %arg1[%get3A] : memref<1xi32, #tpu.memory_space<smem>>
    %sub3A = arith.constant 1 : i32
    %sub3A_1 = arith.subi %get3A_0, %sub3A : i32
    %min3A = arith.minsi %arg0, %sub3A_1 : i32
    %c0_i32 = arith.constant 0 : i32
    %c0_i32_2 = arith.constant 0 : i32
    return %min3A, %c0_i32 : i32, i32
  }
  func.func @transform_1(%arg0: i32, %arg1: memref<1xi32, #tpu.memory_space<smem>>, %arg2: memref<16xi32, #tpu.memory_space<smem>>) -> (i32, i32, i32) {
    %get3A = arith.index_cast %arg0 : i32 to index
    %get3A_0 = memref.load %arg2[%get3A] : memref<16xi32, #tpu.memory_space<smem>>
    %c0_i32 = arith.constant 0 : i32
    %c0_i32_1 = arith.constant 0 : i32
    %c0_i32_2 = arith.constant 0 : i32
    return %get3A_0, %c0_i32, %c0_i32_1 : i32, i32, i32
  }
  func.func @transform_2(%arg0: i32, %arg1: memref<1xi32, #tpu.memory_space<smem>>, %arg2: memref<16xi32, #tpu.memory_space<smem>>) -> (i32, i32, i32) {
    %get3A = arith.index_cast %arg0 : i32 to index
    %get3A_0 = memref.load %arg2[%get3A] : memref<16xi32, #tpu.memory_space<smem>>
    %c0_i32 = arith.constant 0 : i32
    %c0_i32_1 = arith.constant 0 : i32
    %c0_i32_2 = arith.constant 0 : i32
    return %get3A_0, %c0_i32, %c0_i32_1 : i32, i32, i32
  }
  func.func @transform_3(%arg0: i32, %arg1: memref<1xi32, #tpu.memory_space<smem>>, %arg2: memref<16xi32, #tpu.memory_space<smem>>) -> (i32, i32) {
    %get3A = arith.constant 0 : index
    %get3A_0 = memref.load %arg1[%get3A] : memref<1xi32, #tpu.memory_space<smem>>
    %sub3A = arith.constant 1 : i32
    %sub3A_1 = arith.subi %get3A_0, %sub3A : i32
    %min3A = arith.minsi %arg0, %sub3A_1 : i32
    %c0_i32 = arith.constant 0 : i32
    %c0_i32_2 = arith.constant 0 : i32
    return %min3A, %c0_i32 : i32, i32
  }
}

</mosaic_0001>

<sc_bundles>
// kernel: kernel.6.cloned.1.call-start
scs
__scs_entry_jumppad:
0x0: {  	(pc) =	sbr.rel $0x88, $3  }
0x1: {  	(tag) =	ssettag $0x0;
	lr =	simm.s32 $0x1  }
0x2: {  	[smem:$0x3F9D] =	sst lr;
	_ =	strace $0xD0000000  }
0x3: {  	_ = 	snop  }
0x4: {  	_ = 	snop  }
0x5: {  	_ = 	snop  }
0x6: {  	_ = 	snop  }
0x7: {  	_ = 	snop  }
__scs_overlays_trampoline_lowered:
0x8: {  	[smem:$0x3FAC] =	sst s0  }
0x9: {  	[smem:$0x3FAD] =	sst s1  }
0xa: {  	[smem:$0x3FAE] =	sst s2  }
0xb: {  	[smem:$0x3FAF] =	sst s3  }
0xc: {  	[smem:$0x3FB0] =	sst s4  }
0xd: {  	[smem:$0x3FB1] =	sst s5  }
0xe: {  	[smem:$0x3FB2] =	sst s6  }
0xf: {  	[smem:$0x3FB3] =	sst s7  }
0x10: {  	[smem:$0x3FB4] =	sst s8  }
0x11: {  	[smem:$0x3FB5] =	sst s9;
	s0 =	simm.s32 @!p0 $0x0  }
0x12: {  	s1 =	sld [smem:$0x3F9B];
	s0 =	simm.s32 @p0 $0x1  }
0x13: {  	[smem:$0x3FB6] =	sst s0;
	s0 =	simm.s32 @!p1 $0x0  }
0x14: {  	s2 =	sld [smem:$0x3F9A];
	s0 =	simm.s32 @p1 $0x1  }
0x15: {  	[smem:$0x3FB7] =	sst s0;
	s0 =	simm.s32 @!p2 $0x0  }
0x16: {  	s3 =	sld [smem:$0x3FDB];
	s0 =	simm.s32 @p2 $0x1  }
0x17: {  	s4 =	simm.s32 $0x1BF5;
	[smem:$0x3FB9] =	sst s0  }
0x18: {  	s0 =	sld [smem:$0x3F9C];
	_ =	swait.ge [sflag:s4], $0x0  }
0x19: {  	s7 =	sld [smem:$0x3F9D]  }
0x1a: {  	s8 =	sadd.s32 $0xFFFFE003, lr  }
0x1b: {  	s9 =	sadd.s32 $0xFFFFFEF7, lr;
	s5 =	simm.s32 $0xFFFFFFFF;
	p2 =	slt.u32 s8, $0xFFFFF086  }
0x1c: {  	p1 =	slt.u32 s9, $0xF7A;
	s5 =	simm.s32 @!p2 $0x0  }
0x1d: {  	s5 =	simm.s32 @p1 $0x1;
	p0 =	seq.s32 s7, s2  }
0x1e: {  	s7 =	smul.u32 @!p0 $0xF7A, s2;
	p2 =	seq.s32 @!p0 s5, $0x0  }
0x1f: {  	s9 =	smul.u32 $0xF7A, s1;
	s8 =	simm.s32 @!p0 $0x1BF5;
	p2 =	por !p2, p0  }
0x20: {  	[sflag:s8] =	ssyncset.s32 @!p0 $0xFFFFF086;
	s6 =	sadd.s32 @!p0 s3, s7;
	s7 =	simm.s32 @!p0 $0x108  }
0x21: {  	s3 =	sadd.s32 s3, s9;
	s6 =	sadd.s32 @!p0 $0x88, s6;
	s7 =	simm.s32 @p2 $0x1082  }
0x22: {  	[simem:s7], [sflag:s8] =	dma.local @!p0 [hbm:s6], $0xF7A  }
0x23: {  	s9 =	sor.u32 $0xD0000000, s2;
	s6 =	simm.s32 $0x108;
	_ =	swait.ge @!p0 [sflag:s8], $0x0  }
0x24: {  	s3 =	sadd.s32 $0x88, s3;
	s6 =	simm.s32 @!p1 $0x1082;
	[sflag:s4] =	ssyncset.s32 $0xFFFFF086  }
0x25: {  	[simem:s6], [sflag:s4] =	dma.local [hbm:s3], $0xF7A  }
0x26: {  	[smem:$0x3F9D] =	sst s1;
	(tag) =	ssettag s2;
	_ =	strace s9  }
0x27: {  	s1 =	sld [smem:$0x3FAD]  }
0x28: {  	s2 =	sld [smem:$0x3FAE]  }
0x29: {  	s4 =	sld [smem:$0x3FB0]  }
0x2a: {  	p0 =	seq.s32 s5, $0x0;
	s5 =	sld [smem:$0x3FB1]  }
0x2b: {  	s6 =	sld [smem:$0x3FB2]  }
0x2c: {  	s7 =	sld [smem:$0x3FB3]  }
0x2d: {  	s3 =	simm.s32 $0x108;
	s8 =	sld [smem:$0x3FB4]  }
0x2e: {  	s3 =	simm.s32 @!p0 $0x1082;
	s9 =	sld [smem:$0x3FB5]  }
0x2f: {  	lr =	sadd.s32 s0, s3;
	s0 =	sld [smem:$0x3FAC]  }
0x30: {  	s3 =	sld [smem:$0x3FAF]  }
0x31: {  	[smem:$0x3FB8] =	sst s10  }
0x32: {  	s10 =	sld [smem:$0x3FB6];
	_ =	sdelay $0x3  }
0x33: {  	p0 =	seq.s32 s10, $0x1;
	s10 =	sld [smem:$0x3FB8];
	_ =	sdelay $0x3  }
0x34: {  	[smem:$0x3FB8] =	sst s10  }
0x35: {  	s10 =	sld [smem:$0x3FB7];
	_ =	sdelay $0x3  }
0x36: {  	p1 =	seq.s32 s10, $0x1;
	s10 =	sld [smem:$0x3FB8];
	_ =	sdelay $0x3  }
0x37: {  	[smem:$0x3FB8] =	sst s10  }
0x38: {  	s10 =	sld [smem:$0x3FB9]  }
0x39: {  	_ = 	snop;
	(pc) =	sbr.ind lr, $3  }
0x3a: {  	_ = 	snop  }
0x3b: {  	_ = 	snop  }
0x3c: {  	p2 =	seq.s32 s10, $0x1;
	s10 =	sld [smem:$0x3FB8]  }
0x3d: {  	_ =	shalt  }
0x3e: {  	_ =	shalt  }
0x3f: {  	_ =	shalt  }
0x40: {  	_ =	shalt  }
0x41: {  	_ =	shalt  }
0x42: {  	_ =	shalt  }
0x43: {  	_ =	shalt  }
0x44: {  	_ =	shalt  }
0x45: {  	_ =	shalt  }
0x46: {  	_ =	shalt  }
0x47: {  	_ =	shalt  }
0x48: {  	_ =	shalt  }
0x49: {  	_ =	shalt  }
0x4a: {  	_ =	shalt  }
0x4b: {  	_ =	shalt  }
0x4c: {  	_ =	shalt  }
0x4d: {  	_ =	shalt  }
0x4e: {  	_ =	shalt  }
0x4f: {  	_ =	shalt  }
0x50: {  	_ =	shalt  }
0x51: {  	_ =	shalt  }
0x52: {  	_ =	shalt  }
0x53: {  	_ =	shalt  }
0x54: {  	_ =	shalt  }
0x55: {  	_ =	shalt  }
0x56: {  	_ =	shalt  }
0x57: {  	_ =	shalt  }
0x58: {  	_ =	shalt  }
0x59: {  	_ =	shalt  }
0x5a: {  	_ =	shalt  }
0x5b: {  	_ =	shalt  }
0x5c: {  	_ =	shalt  }
0x5d: {  	_ =	shalt  }
0x5e: {  	_ =	shalt  }
0x5f: {  	_ =	shalt  }
0x60: {  	_ =	shalt  }
0x61: {  	_ =	shalt  }
0x62: {  	_ =	shalt  }
0x63: {  	_ =	shalt  }
0x64: {  	_ =	shalt  }
0x65: {  	_ =	shalt  }
0x66: {  	_ =	shalt  }
0x67: {  	_ =	shalt  }
0x68: {  	_ =	shalt  }
0x69: {  	_ =	shalt  }
0x6a: {  	_ =	shalt  }
0x6b: {  	_ =	shalt  }
0x6c: {  	_ =	shalt  }
0x6d: {  	_ =	shalt  }
0x6e: {  	_ =	shalt  }
0x6f: {  	_ =	shalt  }
0x70: {  	_ =	shalt  }
0x71: {  	_ =	shalt  }
0x72: {  	_ =	shalt  }
0x73: {  	_ =	shalt  }
0x74: {  	_ =	shalt  }
0x75: {  	_ =	shalt  }
0x76: {  	_ =	shalt  }
0x77: {  	_ =	shalt  }
0x78: {  	_ =	shalt  }
0x79: {  	_ =	shalt  }
0x7a: {  	_ =	shalt  }
0x7b: {  	_ =	shalt  }
0x7c: {  	_ =	shalt  }
0x7d: {  	_ =	shalt  }
0x7e: {  	_ =	shalt  }
0x7f: {  	_ =	shalt  }
0x80: {  	_ =	shalt  }
0x81: {  	_ =	shalt  }
0x82: {  	_ =	shalt  }
0x83: {  	_ =	shalt  }
0x84: {  	_ =	shalt  }
0x85: {  	_ =	shalt  }
0x86: {  	_ =	shalt  }
0x87: {  	_ =	shalt  }
.Lfunc_end0:
.L_simem_size_0:
called_computation_lowered:
.L_overlay_start_0:
0x88: {  	s2 =	sld [smem:$0x3FD9]  }
0x89: {  	s3 =	sld [smem:$0x3FFE];
	_ =	sdelay $0x1  }
0x8a: {  	s1 =	srdreg.scid  }
0x8b: {  	s0 =	sand.u32 $0x1, s1  }
0x8c: {  	s17 =	sshll.u32 s0, $0xA;
	s2 =	sadd.s32 s3, s2  }
0x8d: {  	s2 =	sadd.s32 s2, s17  }
0x8e: {  	[smem:$0x3FC4] =	sst s2  }
0x8f: {  	_ = 	snop  }
0x90: {  	s2 =	sld [smem:$0x3FC9];
	(tm) =	ssettm $0x1  }
0x91: {  	s18 =	sld [smem:$0x3FFB];
	_ =	sdelay $0x3  }
0x92: {  	_ =	strace s18  }
0x93: {  	s3 =	sld [smem:$0x3FFC];
	_ =	sdelay $0x3  }
0x94: {  	_ =	strace s3  }
0x95: {  	s3 =	sld [smem:$0x3FFD];
	_ =	sdelay $0x3  }
0x96: {  	_ =	strace s3  }
0x97: {  	_ =	strace $0x8FFFFFFF  }
0x98: {  	s19 =	sld [smem:$0x3FDB];
	_ =	sdelay $0x1  }
0x99: {  	s4 =	simm.s32 $_scs_section_size  }
0x9a: {  	s5 =	simm.s32 $_size__tile_overlayer_lowered;
	s6 =	simm.s32 $_tile_overlayer_lowered  }
0x9b: {  	s22 =	simm.s32 $0x1BFF;
	s21 =	sshll.u32 s6, $0x1;
	s3 =	sadd.s32 s4, s19  }
0x9c: {  	s7 =	simm.s32 $0x0;
	s20 =	sshll.u32 s5, $0x1;
	s5 =	sadd.s32 s21, s3  }
0x9d: {  	[timem:s7], [sflag:s22] =	dma.local [hbm:s5], s20  }
0x9e: {  	_ =	swait.ge [sflag:s22], s20  }
0x9f: {  	s4 =	ssub.s32 $0x0, s20;
	[sflag:s22] =	ssyncset.done $0x0  }
0xa0: {  	[sflag:s22] =	ssyncadd.s32 s4;
	_ =	sdelay $0x1  }
0xa1: {  	s23 =	simm.s32 $0x1B8B  }
0xa2: {  	_ =	swait.ge [sflag:s23], $0x1  }
0xa3: {  	[sflag:s23] =	ssyncset.done $0x0  }
0xa4: {  	s25 =	simm.s32 $0x1B8E;
	s24 =	sld [smem:$0x3FFE];
	[sflag:s23] =	ssyncadd.s32 $0xFFFFFFFF  }
0xa5: {  	s26 =	simm.s32 $execute0_lowered;
	[smem:$0x3FD2] =	sst s25  }
0xa6: {  	s5 =	sshll.u32 s26, $0x1;
	_ =	strace $0x80000046;
	[dreg:$0x1] =	wrdreg $0xFFFFFFFF  }
0xa7: {  	s28 =	simm.s32 $_size_execute0_lowered;
	s3 =	sadd.s32 s3, s5;
	[dreg:$0x0] =	wrdreg $0x0  }
0xa8: {  	s5 =	sshll.u32 s28, $0x1;
	[dreg:$0x2] =	wrdreg s3  }
0xa9: {  	[dreg:$0x3] =	wrdreg s5  }
0xaa: {  	[dreg:$0x4] =	wrdreg $0xC0  }
0xab: {  	_ =	task [dreg:s7], $0x5FFFF  }
0xac: {  	[dreg:$0x1] =	wrdreg $0xFFFFFFFF  }
0xad: {  	[dreg:$0x0] =	wrdreg $0x60  }
0xae: {  	[dreg:$0x2] =	wrdreg s2  }
0xaf: {  	[dreg:$0x3] =	wrdreg s24  }
0xb0: {  	[dreg:$0x4] =	wrdreg $0x9  }
0xb1: {  	_ =	task.clear_ibuf [dreg:s7], $0x5FFFF;
	_ =	strace $0x90000046  }
0xb2: {  	s29 =	simm.s32 $0x9;
	_ =	strace $0x80000048  }
0xb3: {  	_ =	swait.ge [sflag:s29], $0x1  }
0xb4: {  	[sflag:s29] =	ssyncadd.s32 $0xFFFFFFFF  }
0xb5: {  	_ =	strace $0x90000048  }
0xb6: {  	_ =	sfence  }
0xb7: {  	s30 =	sld [smem:$0x0];
	_ =	sdelay $0x2  }
0xb8: {  	s31 =	sshll.u32 s1, $0xD;
	s1 =	sshrl.u32 s1, $0x2  }
0xb9: {  	s3 =	sand.u32 $0x4000, s31;
	s1 =	sadd.s32 s1, s30  }
0xba: {  	s0 =	sor.u32 s3, s0;
	s1 =	sshll.u32 s1, $0x11  }
0xbb: {  	s0 =	sor.u32 s1, s0  }
0xbc: {  	s0 =	sadd.s32 $0x8F2B, s0  }
0xbd: {  	[sflag:s0] =	ssyncadd.remote.s32 $0x1  }
0xbe: {  	_ =	sfence.sel $0xFFFF  }
0xbf: {  	[dreg:$0x0] =	wrdreg $0xFFFFFFFF;
	(pc) =	sbr.abs _section_cstart, $3  }
0xc0: {  	[dreg:$0x1] =	wrdreg $0xFFFFFFFF  }
0xc1: {  	_ =	task.clear_ibuf [dreg:s7], $0x2FFFF;
	_ =	strace $0x9FFFFFFF  }
0xc2: {  	(tm) =	ssettm $0x7FFFFFFF  }
0xc3: {  	_ =	shalt  }
tec
execute0_lowered:
.L_overlay_start_1:
0x0: {  	(tag) =	ssettag $0x1  }
0x1: {  	s0 =	rddreg [dreg:$0x0]  }
0x2: {  	s1 =	rddreg [dreg:$0x1];
	s2 =	simm.s32 $0x0;
	s3 =	srdreg.scid  }
0x3: {  	s4 =	stileid.u32;
	s24 =	simm.s32 $0x80;
	s25 =	simm.s32 $0x100  }
0x4: {  	s26 =	simm.s32 $0x180;
	s28 =	simm.s32 $0x3200;
	s29 =	simm.s32 $0x3A00  }
0x5: {  	s30 =	simm.s32 $0x4200;
	s31 =	simm.s32 $0x4A00;
	s12 =	simm.s32 $0x7200  }
0x6: {  	[smem:$0x7FF] =	sst s2;
	s3 =	sand.u32 $0x1, s3;
	s4 =	sshll.u32 s4, $0x8  }
0x7: {  	s6 =	sadd.s32 $0x1200, s1;
	_ =	strace $0x80000047;
	[dreg:$0xb] =	wrdreg s24  }
0x8: {  	s5 =	sshll.u32 s3, $0x7;
	s7 =	ssub.s32 $0x2, s3;
	[dreg:$0xc] =	wrdreg s25  }
0x9: {  	s3 =	sadd.s32 $0x1400, s1;
	[dreg:$0xd] =	wrdreg s26;
	s25 =	simm.s32 $0x200  }
0xa: {  	s24 =	simm.s32 $0x2200;
	s4 =	sor.u32 s5, s4;
	s13 =	sshrl.u32 s7, $0x1  }
0xb: {  	s26 =	simm.s32 $0x2A00;
	s8 =	sshrl.u32 s4, $0x3;
	s7 =	ssub.s32 s7, s13  }
0xc: {  	s15 =	sor.u32 $0x20, s4;
	s9 =	sor.u32 $0x40, s4;
	s11 =	sor.u32 $0x60, s4  }
0xd: {  	s4 =	sshll.u32 s4, $0x7;
	s13 =	simm.s32 $0x7A00;
	s14 =	sadd.s32 s6, s8  }
0xe: {  	s16 =	sshrl.u32 s15, $0x3;
	s10 =	sshrl.u32 s9, $0x3;
	s18 =	sshrl.u32 s11, $0x3  }
0xf: {  	s4 =	sadd.s32 s0, s4;
	s20 =	sshll.u32 s15, $0x7;
	s22 =	sshll.u32 s9, $0x7  }
0x10: {  	s23 =	sshll.u32 s11, $0x7;
	s7 =	smax.u32 s7, $0x1;
	s8 =	simm.s32 $0x3  }
0x11: {  	s11 =	simm.s32 $0x6A00;
	s15 =	simm.s32 $0x9200;
	[dreg:$0x3] =	wrdreg s14  }
0x12: {  	s5 =	sadd.s32 s6, s16;
	s17 =	sadd.s32 s6, s10;
	[dreg:$0x7] =	wrdreg s4  }
0x13: {  	s19 =	sadd.s32 s6, s18;
	s21 =	sadd.s32 s0, s20;
	[dreg:$0x4] =	wrdreg s5  }
0x14: {  	s4 =	sadd.s32 $0x1500, s1;
	s6 =	sadd.s32 $0x1700, s1;
	[dreg:$0x5] =	wrdreg s17  }
0x15: {  	s10 =	simm.s32 $0x6200;
	s18 =	simm.s32 $0x8200;
	[dreg:$0x6] =	wrdreg s19  }
0x16: {  	s14 =	simm.s32 $0x8A00;
	s16 =	simm.s32 $0x9A00;
	[dreg:$0x8] =	wrdreg s21  }
0x17: {  	v2 =	vlaneseq.u32;
	s5 =	sadd.s32 s0, s22;
	s0 =	sadd.s32 s0, s23;
	s22 =	simm.s32 $0x1200  }
0x18: {  	vm0 =	vmmov $0xffff;
	v1 =	vshrl.u32 v2, $0x3;
	s23 =	simm.s32 $0x1A00;
	s17 =	simm.s32 $0xA200;
	[dreg:$0x9] =	wrdreg s5  }
0x19: {  	v0 =	vand.u32 $0x7, v2;
	v2 =	vor.u32 $0x8, v2;
	v1 =	vmul.u32 $0x8, v1;
	s19 =	simm.s32 $0xB200;
	s5 =	sadd.s32 $0x1600, s1;
	[dreg:$0xa] =	wrdreg s0  }
.LBB2_1:
0x1a: {  	s20 =	rddreg [dreg:$0x3]  }
0x1b: {  	[tilespmem:s2], [sflag:$0x3] =	stream.linear.gather [hbm4b:s20+s2], $0x20, $0x38;
	[tilespmem:$0x10200] =	vst v63  }
0x1c: {  	_ =	swait.ge [sflag:s8], $0x20  }
0x1d: {  	s9 =	rddreg [dreg:$0x4];
	[sflag:s8] =	ssyncset.done $0x0  }
0x1e: {  	s21 =	rddreg [dreg:$0xb];
	[sflag:s8] =	ssyncadd.s32 $0xFFFFFFE0  }
0x1f: {  	[tilespmem:s21], [sflag:$0x3] =	stream.linear.gather [hbm4b:s9+s2], $0x20, $0x38;
	[tilespmem:$0x10200] =	vst v63  }
0x20: {  	_ =	swait.ge [sflag:s8], $0x20  }
0x21: {  	s21 =	rddreg [dreg:$0x5];
	[sflag:s8] =	ssyncset.done $0x0  }
0x22: {  	s0 =	rddreg [dreg:$0xc];
	[sflag:s8] =	ssyncadd.s32 $0xFFFFFFE0  }
0x23: {  	[tilespmem:s0], [sflag:$0x3] =	stream.linear.gather [hbm4b:s21+s2], $0x20, $0x38;
	[tilespmem:$0x10200] =	vst v63  }
0x24: {  	_ =	swait.ge [sflag:s8], $0x20  }
0x25: {  	s1 =	rddreg [dreg:$0x6];
	[sflag:s8] =	ssyncset.done $0x0  }
0x26: {  	s9 =	rddreg [dreg:$0xd];
	[sflag:s8] =	ssyncadd.s32 $0xFFFFFFE0  }
0x27: {  	[tilespmem:s9], [sflag:$0x3] =	stream.linear.gather [hbm4b:s1+s2], $0x20, $0x38;
	[tilespmem:$0x10200] =	vst v63  }
0x28: {  	_ =	swait.ge [sflag:s8], $0x20  }
0x29: {  	[sflag:s8] =	ssyncset.done $0x0  }
0x2a: {  	s21 =	rddreg [dreg:$0x7];
	[sflag:s8] =	ssyncadd.s32 $0xFFFFFFE0  }
0x2b: {  	[tilespmem:s25], [sflag:$0x3] =	stream.linear.gather [hbm4b:s21+s2], $0x8000, $0x38;
	[tilespmem:$0x10200] =	vst v63  }
0x2c: {  	_ =	swait.ge [sflag:s8], $0x8000  }
0x2d: {  	[sflag:s8] =	ssyncset.done $0x0  }
0x2e: {  	[sflag:s8] =	ssyncadd.s32 $0xFFFF8000  }
0x2f: {  	v3 =	vld [tilespmem:$0x0];
	_ =	sdelay $0x4  }
0x30: {  	v4 =	vshll.u32 v3, $0x3  }
0x31: {  	v3 =	vand.u32 $0x7, v3;
	v4 =	vand.u32 $0xFFFFFFC0, v4  }
0x32: {  	v3 =	vor.u32 v3, v4  }
0x33: {  	v4 =	vperm.xlane v3, v0;
	_ =	sdelay $0x1  }
0x34: {  	v4 =	vadd.s32 v1, v4;
	_ =	sdelay $0x4  }
0x35: {  	[hbm4b:s3+s2] =	stream.indirect_vreg.scatter [tilespmem:s25], [sflag:$0x1], $0x80, v4, vm0, $0xb8;
	[tilespmem:$0x10200] =	vst v63  }
0x36: {  	s21 =	simm.s32 $0xA00;
	v3 =	vperm.xlane v3, v2  }
0x37: {  	[hbm4b:s4+s2] =	stream.indirect_vreg.scatter [tilespmem:s21], [sflag:$0x1], $0x80, v4, vm0, $0xb8;
	[tilespmem:$0x10200] =	vst v63  }
0x38: {  	v3 =	vadd.s32 v1, v3  }
0x39: {  	[hbm4b:s5+s2] =	stream.indirect_vreg.scatter [tilespmem:s22], [sflag:$0x1], $0x80, v4, vm0, $0xb8;
	[tilespmem:$0x10200] =	vst v63  }
0x3a: {  	_ = 	snop  }
0x3b: {  	[hbm4b:s6+s2] =	stream.indirect_vreg.scatter [tilespmem:s23], [sflag:$0x1], $0x80, v4, vm0, $0xb8;
	[tilespmem:$0x10200] =	vst v63  }
0x3c: {  	_ = 	snop  }
0x3d: {  	[hbm4b:s3+s2] =	stream.indirect_vreg.scatter [tilespmem:s24], [sflag:$0x1], $0x80, v3, vm0, $0xb8;
	[tilespmem:$0x10200] =	vst v63  }
0x3e: {  	_ = 	snop  }
0x3f: {  	[hbm4b:s4+s2] =	stream.indirect_vreg.scatter [tilespmem:s26], [sflag:$0x1], $0x80, v3, vm0, $0xb8;
	[tilespmem:$0x10200] =	vst v63  }
0x40: {  	_ = 	snop  }
0x41: {  	[hbm4b:s5+s2] =	stream.indirect_vreg.scatter [tilespmem:s28], [sflag:$0x1], $0x80, v3, vm0, $0xb8;
	[tilespmem:$0x10200] =	vst v63  }
0x42: {  	_ = 	snop  }
0x43: {  	[hbm4b:s6+s2] =	stream.indirect_vreg.scatter [tilespmem:s29], [sflag:$0x1], $0x80, v3, vm0, $0xb8;
	[tilespmem:$0x10200] =	vst v63  }
0x44: {  	v3 =	vld [tilespmem:$0x10];
	_ =	sdelay $0x4  }
0x45: {  	v57 =	vshll.u32 v3, $0x3  }
0x46: {  	v3 =	vand.u32 $0x7, v3;
	v4 =	vand.u32 $0xFFFFFFC0, v57  }
0x47: {  	v3 =	vor.u32 v3, v4  }
0x48: {  	v4 =	vperm.xlane v3, v0;
	_ =	sdelay $0x1  }
0x49: {  	v4 =	vadd.s32 v1, v4;
	_ =	sdelay $0x4  }
0x4a: {  	[hbm4b:s3+s2] =	stream.indirect_vreg.scatter [tilespmem:s30], [sflag:$0x1], $0x80, v4, vm0, $0xb8;
	[tilespmem:$0x10200] =	vst v63  }
0x4b: {  	v3 =	vperm.xlane v3, v2  }
0x4c: {  	[hbm4b:s4+s2] =	stream.indirect_vreg.scatter [tilespmem:s31], [sflag:$0x1], $0x80, v4, vm0, $0xb8;
	[tilespmem:$0x10200] =	vst v63  }
0x4d: {  	s9 =	simm.s32 $0x5200;
	v3 =	vadd.s32 v1, v3  }
0x4e: {  	[hbm4b:s5+s2] =	stream.indirect_vreg.scatter [tilespmem:s9], [sflag:$0x1], $0x80, v4, vm0, $0xb8;
	[tilespmem:$0x10200] =	vst v63  }
0x4f: {  	s1 =	simm.s32 $0x5A00  }
0x50: {  	[hbm4b:s6+s2] =	stream.indirect_vreg.scatter [tilespmem:s1], [sflag:$0x1], $0x80, v4, vm0, $0xb8;
	[tilespmem:$0x10200] =	vst v63  }
0x51: {  	_ = 	snop  }
0x52: {  	[hbm4b:s3+s2] =	stream.indirect_vreg.scatter [tilespmem:s10], [sflag:$0x1], $0x80, v3, vm0, $0xb8;
	[tilespmem:$0x10200] =	vst v63  }
0x53: {  	_ = 	snop  }
0x54: {  	[hbm4b:s4+s2] =	stream.indirect_vreg.scatter [tilespmem:s11], [sflag:$0x1], $0x80, v3, vm0, $0xb8;
	[tilespmem:$0x10200] =	vst v63  }
0x55: {  	_ = 	snop  }
0x56: {  	[hbm4b:s5+s2] =	stream.indirect_vreg.scatter [tilespmem:s12], [sflag:$0x1], $0x80, v3, vm0, $0xb8;
	[tilespmem:$0x10200] =	vst v63  }
0x57: {  	_ = 	snop  }
0x58: {  	[hbm4b:s6+s2] =	stream.indirect_vreg.scatter [tilespmem:s13], [sflag:$0x1], $0x80, v3, vm0, $0xb8;
	[tilespmem:$0x10200] =	vst v63  }
0x59: {  	s0 =	rddreg [dreg:$0x8]  }
0x5a: {  	[tilespmem:s18], [sflag:$0x3] =	stream.linear.gather [hbm4b:s0+s2], $0x8000, $0x38;
	[tilespmem:$0x10200] =	vst v63  }
0x5b: {  	_ =	swait.ge [sflag:s8], $0x8000  }
0x5c: {  	[sflag:s8] =	ssyncset.done $0x0  }
0x5d: {  	[sflag:s8] =	ssyncadd.s32 $0xFFFF8000  }
0x5e: {  	v3 =	vld [tilespmem:$0x80];
	_ =	sdelay $0x4  }
0x5f: {  	v58 =	vshll.u32 v3, $0x3  }
0x60: {  	v3 =	vand.u32 $0x7, v3;
	v4 =	vand.u32 $0xFFFFFFC0, v58  }
0x61: {  	v3 =	vor.u32 v3, v4  }
0x62: {  	v4 =	vperm.xlane v3, v0;
	_ =	sdelay $0x1  }
0x63: {  	v4 =	vadd.s32 v1, v4;
	_ =	sdelay $0x4  }
0x64: {  	[hbm4b:s3+s2] =	stream.indirect_vreg.scatter [tilespmem:s18], [sflag:$0x2], $0x80, v4, vm0, $0xb8;
	[tilespmem:$0x10200] =	vst v63  }
0x65: {  	v3 =	vperm.xlane v3, v2  }
0x66: {  	[hbm4b:s4+s2] =	stream.indirect_vreg.scatter [tilespmem:s14], [sflag:$0x2], $0x80, v4, vm0, $0xb8;
	[tilespmem:$0x10200] =	vst v63  }
0x67: {  	v3 =	vadd.s32 v1, v3  }
0x68: {  	[hbm4b:s5+s2] =	stream.indirect_vreg.scatter [tilespmem:s15], [sflag:$0x2], $0x80, v4, vm0, $0xb8;
	[tilespmem:$0x10200] =	vst v63  }
0x69: {  	_ = 	snop  }
0x6a: {  	[hbm4b:s6+s2] =	stream.indirect_vreg.scatter [tilespmem:s16], [sflag:$0x2], $0x80, v4, vm0, $0xb8;
	[tilespmem:$0x10200] =	vst v63  }
0x6b: {  	_ = 	snop  }
0x6c: {  	[hbm4b:s3+s2] =	stream.indirect_vreg.scatter [tilespmem:s17], [sflag:$0x2], $0x80, v3, vm0, $0xb8;
	[tilespmem:$0x10200] =	vst v63  }
0x6d: {  	s0 =	simm.s32 $0xAA00  }
0x6e: {  	[hbm4b:s4+s2] =	stream.indirect_vreg.scatter [tilespmem:s0], [sflag:$0x2], $0x80, v3, vm0, $0xb8;
	[tilespmem:$0x10200] =	vst v63  }
0x6f: {  	_ = 	snop  }
0x70: {  	[hbm4b:s5+s2] =	stream.indirect_vreg.scatter [tilespmem:s19], [sflag:$0x2], $0x80, v3, vm0, $0xb8;
	[tilespmem:$0x10200] =	vst v63  }
0x71: {  	s20 =	simm.s32 $0xBA00  }
0x72: {  	[hbm4b:s6+s2] =	stream.indirect_vreg.scatter [tilespmem:s20], [sflag:$0x2], $0x80, v3, vm0, $0xb8;
	[tilespmem:$0x10200] =	vst v63  }
0x73: {  	v3 =	vld [tilespmem:$0x90];
	_ =	sdelay $0x4  }
0x74: {  	v59 =	vshll.u32 v3, $0x3  }
0x75: {  	v3 =	vand.u32 $0x7, v3;
	v4 =	vand.u32 $0xFFFFFFC0, v59  }
0x76: {  	v3 =	vor.u32 v3, v4  }
0x77: {  	v4 =	vperm.xlane v3, v0;
	_ =	sdelay $0x1  }
0x78: {  	v4 =	vadd.s32 v1, v4;
	_ =	sdelay $0x3  }
0x79: {  	s20 =	simm.s32 $0xC200  }
0x7a: {  	[hbm4b:s3+s2] =	stream.indirect_vreg.scatter [tilespmem:s20], [sflag:$0x2], $0x80, v4, vm0, $0xb8;
	[tilespmem:$0x10200] =	vst v63  }
0x7b: {  	v3 =	vperm.xlane v3, v2;
	s20 =	simm.s32 $0xCA00  }
0x7c: {  	[hbm4b:s4+s2] =	stream.indirect_vreg.scatter [tilespmem:s20], [sflag:$0x2], $0x80, v4, vm0, $0xb8;
	[tilespmem:$0x10200] =	vst v63  }
0x7d: {  	v3 =	vadd.s32 v1, v3;
	s20 =	simm.s32 $0xD200  }
0x7e: {  	[hbm4b:s5+s2] =	stream.indirect_vreg.scatter [tilespmem:s20], [sflag:$0x2], $0x80, v4, vm0, $0xb8;
	[tilespmem:$0x10200] =	vst v63  }
0x7f: {  	s20 =	simm.s32 $0xDA00  }
0x80: {  	[hbm4b:s6+s2] =	stream.indirect_vreg.scatter [tilespmem:s20], [sflag:$0x2], $0x80, v4, vm0, $0xb8;
	[tilespmem:$0x10200] =	vst v63  }
0x81: {  	s20 =	simm.s32 $0xE200  }
0x82: {  	[hbm4b:s3+s2] =	stream.indirect_vreg.scatter [tilespmem:s20], [sflag:$0x2], $0x80, v3, vm0, $0xb8;
	[tilespmem:$0x10200] =	vst v63  }
0x83: {  	s20 =	simm.s32 $0xEA00  }
0x84: {  	[hbm4b:s4+s2] =	stream.indirect_vreg.scatter [tilespmem:s20], [sflag:$0x2], $0x80, v3, vm0, $0xb8;
	[tilespmem:$0x10200] =	vst v63  }
0x85: {  	s20 =	simm.s32 $0xF200  }
0x86: {  	[hbm4b:s5+s2] =	stream.indirect_vreg.scatter [tilespmem:s20], [sflag:$0x2], $0x80, v3, vm0, $0xb8;
	[tilespmem:$0x10200] =	vst v63  }
0x87: {  	s0 =	simm.s32 $0x1;
	s20 =	simm.s32 $0xFA00  }
0x88: {  	[hbm4b:s6+s2] =	stream.indirect_vreg.scatter [tilespmem:s20], [sflag:$0x2], $0x80, v3, vm0, $0xb8;
	[tilespmem:$0x10200] =	vst v63  }
0x89: {  	_ =	swait.ge [sflag:s0], $0x8000  }
0x8a: {  	[sflag:s0] =	ssyncset.done $0x0  }
0x8b: {  	s20 =	rddreg [dreg:$0x9];
	[sflag:s0] =	ssyncadd.s32 $0xFFFF8000  }
0x8c: {  	[tilespmem:s25], [sflag:$0x3] =	stream.linear.gather [hbm4b:s20+s2], $0x8000, $0x38;
	[tilespmem:$0x10200] =	vst v63  }
0x8d: {  	_ =	swait.ge [sflag:s8], $0x8000  }
0x8e: {  	[sflag:s8] =	ssyncset.done $0x0  }
0x8f: {  	[sflag:s8] =	ssyncadd.s32 $0xFFFF8000  }
0x90: {  	v3 =	vld [tilespmem:$0x100];
	_ =	sdelay $0x4  }
0x91: {  	v60 =	vshll.u32 v3, $0x3  }
0x92: {  	v3 =	vand.u32 $0x7, v3;
	v4 =	vand.u32 $0xFFFFFFC0, v60  }
0x93: {  	v3 =	vor.u32 v3, v4  }
0x94: {  	v4 =	vperm.xlane v3, v0;
	_ =	sdelay $0x1  }
0x95: {  	v4 =	vadd.s32 v1, v4;
	_ =	sdelay $0x4  }
0x96: {  	[hbm4b:s3+s2] =	stream.indirect_vreg.scatter [tilespmem:s25], [sflag:$0x1], $0x80, v4, vm0, $0xb8;
	[tilespmem:$0x10200] =	vst v63  }
0x97: {  	v3 =	vperm.xlane v3, v2  }
0x98: {  	[hbm4b:s4+s2] =	stream.indirect_vreg.scatter [tilespmem:s21], [sflag:$0x1], $0x80, v4, vm0, $0xb8;
	[tilespmem:$0x10200] =	vst v63  }
0x99: {  	v3 =	vadd.s32 v1, v3  }
0x9a: {  	[hbm4b:s5+s2] =	stream.indirect_vreg.scatter [tilespmem:s22], [sflag:$0x1], $0x80, v4, vm0, $0xb8;
	[tilespmem:$0x10200] =	vst v63  }
0x9b: {  	_ = 	snop  }
0x9c: {  	[hbm4b:s6+s2] =	stream.indirect_vreg.scatter [tilespmem:s23], [sflag:$0x1], $0x80, v4, vm0, $0xb8;
	[tilespmem:$0x10200] =	vst v63  }
0x9d: {  	_ = 	snop  }
0x9e: {  	[hbm4b:s3+s2] =	stream.indirect_vreg.scatter [tilespmem:s24], [sflag:$0x1], $0x80, v3, vm0, $0xb8;
	[tilespmem:$0x10200] =	vst v63  }
0x9f: {  	_ = 	snop  }
0xa0: {  	[hbm4b:s4+s2] =	stream.indirect_vreg.scatter [tilespmem:s26], [sflag:$0x1], $0x80, v3, vm0, $0xb8;
	[tilespmem:$0x10200] =	vst v63  }
0xa1: {  	_ = 	snop  }
0xa2: {  	[hbm4b:s5+s2] =	stream.indirect_vreg.scatter [tilespmem:s28], [sflag:$0x1], $0x80, v3, vm0, $0xb8;
	[tilespmem:$0x10200] =	vst v63  }
0xa3: {  	_ = 	snop  }
0xa4: {  	[hbm4b:s6+s2] =	stream.indirect_vreg.scatter [tilespmem:s29], [sflag:$0x1], $0x80, v3, vm0, $0xb8;
	[tilespmem:$0x10200] =	vst v63  }
0xa5: {  	v3 =	vld [tilespmem:$0x110];
	_ =	sdelay $0x4  }
0xa6: {  	v61 =	vshll.u32 v3, $0x3  }
0xa7: {  	v3 =	vand.u32 $0x7, v3;
	v4 =	vand.u32 $0xFFFFFFC0, v61  }
0xa8: {  	v3 =	vor.u32 v3, v4  }
0xa9: {  	v4 =	vperm.xlane v3, v0;
	_ =	sdelay $0x1  }
0xaa: {  	v4 =	vadd.s32 v1, v4;
	_ =	sdelay $0x4  }
0xab: {  	[hbm4b:s3+s2] =	stream.indirect_vreg.scatter [tilespmem:s30], [sflag:$0x1], $0x80, v4, vm0, $0xb8;
	[tilespmem:$0x10200] =	vst v63  }
0xac: {  	v3 =	vperm.xlane v3, v2  }
0xad: {  	[hbm4b:s4+s2] =	stream.indirect_vreg.scatter [tilespmem:s31], [sflag:$0x1], $0x80, v4, vm0, $0xb8;
	[tilespmem:$0x10200] =	vst v63  }
0xae: {  	v3 =	vadd.s32 v1, v3  }
0xaf: {  	[hbm4b:s5+s2] =	stream.indirect_vreg.scatter [tilespmem:s9], [sflag:$0x1], $0x80, v4, vm0, $0xb8;
	[tilespmem:$0x10200] =	vst v63  }
0xb0: {  	_ = 	snop  }
0xb1: {  	[hbm4b:s6+s2] =	stream.indirect_vreg.scatter [tilespmem:s1], [sflag:$0x1], $0x80, v4, vm0, $0xb8;
	[tilespmem:$0x10200] =	vst v63  }
0xb2: {  	_ = 	snop  }
0xb3: {  	[hbm4b:s3+s2] =	stream.indirect_vreg.scatter [tilespmem:s10], [sflag:$0x1], $0x80, v3, vm0, $0xb8;
	[tilespmem:$0x10200] =	vst v63  }
0xb4: {  	_ = 	snop  }
0xb5: {  	[hbm4b:s4+s2] =	stream.indirect_vreg.scatter [tilespmem:s11], [sflag:$0x1], $0x80, v3, vm0, $0xb8;
	[tilespmem:$0x10200] =	vst v63  }
0xb6: {  	_ = 	snop  }
0xb7: {  	[hbm4b:s5+s2] =	stream.indirect_vreg.scatter [tilespmem:s12], [sflag:$0x1], $0x80, v3, vm0, $0xb8;
	[tilespmem:$0x10200] =	vst v63  }
0xb8: {  	s1 =	simm.s32 $0x2  }
0xb9: {  	[hbm4b:s6+s2] =	stream.indirect_vreg.scatter [tilespmem:s13], [sflag:$0x1], $0x80, v3, vm0, $0xb8;
	[tilespmem:$0x10200] =	vst v63  }
0xba: {  	_ =	swait.ge [sflag:s1], $0x8000  }
0xbb: {  	[sflag:s1] =	ssyncset.done $0x0  }
0xbc: {  	s9 =	rddreg [dreg:$0xa];
	[sflag:s1] =	ssyncadd.s32 $0xFFFF8000  }
0xbd: {  	[tilespmem:s18], [sflag:$0x3] =	stream.linear.gather [hbm4b:s9+s2], $0x8000, $0x38;
	[tilespmem:$0x10200] =	vst v63  }
0xbe: {  	_ =	swait.ge [sflag:s8], $0x8000  }
0xbf: {  	[sflag:s8] =	ssyncset.done $0x0  }
0xc0: {  	[sflag:s8] =	ssyncadd.s32 $0xFFFF8000  }
0xc1: {  	v3 =	vld [tilespmem:$0x180];
	_ =	sdelay $0x4  }
0xc2: {  	v62 =	vshll.u32 v3, $0x3  }
0xc3: {  	v3 =	vand.u32 $0x7, v3;
	v4 =	vand.u32 $0xFFFFFFC0, v62  }
0xc4: {  	v3 =	vor.u32 v3, v4  }
0xc5: {  	v4 =	vperm.xlane v3, v0;
	_ =	sdelay $0x1  }
0xc6: {  	v4 =	vadd.s32 v1, v4;
	_ =	sdelay $0x4  }
0xc7: {  	[hbm4b:s3+s2] =	stream.indirect_vreg.scatter [tilespmem:s18], [sflag:$0x2], $0x80, v4, vm0, $0xb8;
	[tilespmem:$0x10200] =	vst v63  }
0xc8: {  	v3 =	vperm.xlane v3, v2  }
0xc9: {  	[hbm4b:s4+s2] =	stream.indirect_vreg.scatter [tilespmem:s14], [sflag:$0x2], $0x80, v4, vm0, $0xb8;
	[tilespmem:$0x10200] =	vst v63  }
0xca: {  	v3 =	vadd.s32 v1, v3  }
0xcb: {  	[hbm4b:s5+s2] =	stream.indirect_vreg.scatter [tilespmem:s15], [sflag:$0x2], $0x80, v4, vm0, $0xb8;
	[tilespmem:$0x10200] =	vst v63  }
0xcc: {  	_ = 	snop  }
0xcd: {  	[hbm4b:s6+s2] =	stream.indirect_vreg.scatter [tilespmem:s16], [sflag:$0x2], $0x80, v4, vm0, $0xb8;
	[tilespmem:$0x10200] =	vst v63  }
0xce: {  	_ = 	snop  }
0xcf: {  	[hbm4b:s3+s2] =	stream.indirect_vreg.scatter [tilespmem:s17], [sflag:$0x2], $0x80, v3, vm0, $0xb8;
	[tilespmem:$0x10200] =	vst v63  }
0xd0: {  	s20 =	simm.s32 $0xAA00  }
0xd1: {  	[hbm4b:s4+s2] =	stream.indirect_vreg.scatter [tilespmem:s20], [sflag:$0x2], $0x80, v3, vm0, $0xb8;
	[tilespmem:$0x10200] =	vst v63  }
0xd2: {  	_ = 	snop  }
0xd3: {  	[hbm4b:s5+s2] =	stream.indirect_vreg.scatter [tilespmem:s19], [sflag:$0x2], $0x80, v3, vm0, $0xb8;
	[tilespmem:$0x10200] =	vst v63  }
0xd4: {  	s21 =	simm.s32 $0xBA00  }
0xd5: {  	[hbm4b:s6+s2] =	stream.indirect_vreg.scatter [tilespmem:s21], [sflag:$0x2], $0x80, v3, vm0, $0xb8;
	[tilespmem:$0x10200] =	vst v63  }
0xd6: {  	v3 =	vld [tilespmem:$0x190];
	_ =	sdelay $0x4  }
0xd7: {  	v63 =	vshll.u32 v3, $0x3  }
0xd8: {  	v3 =	vand.u32 $0x7, v3;
	v4 =	vand.u32 $0xFFFFFFC0, v63  }
0xd9: {  	v3 =	vor.u32 v3, v4  }
0xda: {  	v4 =	vperm.xlane v3, v0;
	_ =	sdelay $0x1  }
0xdb: {  	v4 =	vadd.s32 v1, v4;
	_ =	sdelay $0x3  }
0xdc: {  	s20 =	simm.s32 $0xC200  }
0xdd: {  	[hbm4b:s3+s2] =	stream.indirect_vreg.scatter [tilespmem:s20], [sflag:$0x2], $0x80, v4, vm0, $0xb8;
	[tilespmem:$0x10200] =	vst v63  }
0xde: {  	s21 =	simm.s32 $0xCA00;
	v3 =	vperm.xlane v3, v2  }
0xdf: {  	[hbm4b:s4+s2] =	stream.indirect_vreg.scatter [tilespmem:s21], [sflag:$0x2], $0x80, v4, vm0, $0xb8;
	[tilespmem:$0x10200] =	vst v63  }
0xe0: {  	v3 =	vadd.s32 v1, v3;
	s20 =	simm.s32 $0xD200  }
0xe1: {  	[hbm4b:s5+s2] =	stream.indirect_vreg.scatter [tilespmem:s20], [sflag:$0x2], $0x80, v4, vm0, $0xb8;
	[tilespmem:$0x10200] =	vst v63  }
0xe2: {  	s21 =	simm.s32 $0xDA00  }
0xe3: {  	[hbm4b:s6+s2] =	stream.indirect_vreg.scatter [tilespmem:s21], [sflag:$0x2], $0x80, v4, vm0, $0xb8;
	[tilespmem:$0x10200] =	vst v63  }
0xe4: {  	s20 =	simm.s32 $0xE200  }
0xe5: {  	[hbm4b:s3+s2] =	stream.indirect_vreg.scatter [tilespmem:s20], [sflag:$0x2], $0x80, v3, vm0, $0xb8;
	[tilespmem:$0x10200] =	vst v63  }
0xe6: {  	s21 =	simm.s32 $0xEA00  }
0xe7: {  	[hbm4b:s4+s2] =	stream.indirect_vreg.scatter [tilespmem:s21], [sflag:$0x2], $0x80, v3, vm0, $0xb8;
	[tilespmem:$0x10200] =	vst v63  }
0xe8: {  	s20 =	simm.s32 $0xF200  }
0xe9: {  	[hbm4b:s5+s2] =	stream.indirect_vreg.scatter [tilespmem:s20], [sflag:$0x2], $0x80, v3, vm0, $0xb8;
	[tilespmem:$0x10200] =	vst v63  }
0xea: {  	s21 =	simm.s32 $0xFA00  }
0xeb: {  	[hbm4b:s6+s2] =	stream.indirect_vreg.scatter [tilespmem:s21], [sflag:$0x2], $0x80, v3, vm0, $0xb8;
	[tilespmem:$0x10200] =	vst v63  }
0xec: {  	p0 =	sne.s32 s7, $0x1;
	_ =	swait.ge [sflag:s0], $0x8000  }
.Ltmp0:
0xed: {  	[sflag:s0] =	ssyncset.done $0x0;
	(pc) =	sbr.rel @p0 .LBB2_1-.Ltmp0, $4  }
0xee: {  	[sflag:s0] =	ssyncadd.s32 $0xFFFF8000  }
0xef: {  	_ =	swait.ge [sflag:s1], $0x8000  }
0xf0: {  	[sflag:s1] =	ssyncset.done $0x0  }
0xf1: {  	s7 =	sadd.s32 $0xFFFFFFFF, s7;
	[sflag:s1] =	ssyncadd.s32 $0xFFFF8000  }
0xf2: {  	_ =	sfence.sel $0x180000  }
0xf3: {  	[bflag:$0x0] =	sbarrier.arrive $0xFFFF  }
0xf4: {  	_ =	strace $0x90000047  }
0xf5: {  	s0 =	stileid.u32;
	[bflag:$0x2] =	sbarrier.arrive $0xFFFF  }
0xf6: {  	p0 =	sne.s32 s0, $0x0;
	s0 =	rddreg [dreg:$0x2]  }
0xf7: {  	s0 =	sadd.s32 @!p0 $0x100000, s0  }
0xf8: {  	[sflag:s0] =	ssyncadd.tile.s32 @!p0 $0x1;
	_ =	shalt  }
.Lfunc_end2:
_tile_overlayer_lowered:
.L_overlay_start_2:
0xf9: {  	(tag) =	ssettag $0x2  }
0xfa: {  	s0 =	rddreg [dreg:$0x0];
	s2 =	stileid.u32  }
0xfb: {  	s1 =	rddreg [dreg:$0x1];
	p0 =	sne.s32 s2, $0x0  }
0xfc: {  	s3 =	rddreg [dreg:$0x2];
	[bflag:$0x3] =	sbarrier.arrive $0xFFFF;
	s2 =	simm.s32 @!p0 $0x1C03  }
0xfd: {  	[timem:s3], [sflag:s2] =	dma.local @!p0 [hbm:s0], s1  }
0xfe: {  	s0 =	simm.s32 @!p0 $0x3  }
0xff: {  	_ =	swait.ge @!p0 [sflag:s0], s1  }
0x100: {  	s1 =	ssub.s32 @!p0 $0x0, s1;
	[sflag:s0] =	ssyncset.done @!p0 $0x0  }
0x101: {  	[sflag:s0] =	ssyncadd.s32 @!p0 s1  }
0x102: {  	[bflag:$0x3] =	sbarrier.arrive $0xFFFF  }
0x103: {  	_ =	shalt  }

// kernel: kernel.9.cloned.1.call-start
scs
__scs_entry_jumppad:
0x0: {  	(pc) =	sbr.rel $0x88, $3  }
0x1: {  	(tag) =	ssettag $0x0;
	lr =	simm.s32 $0x1  }
0x2: {  	[smem:$0x3F9D] =	sst lr;
	_ =	strace $0xD0000000  }
0x3: {  	_ = 	snop  }
0x4: {  	_ = 	snop  }
0x5: {  	_ = 	snop  }
0x6: {  	_ = 	snop  }
0x7: {  	_ = 	snop  }
__scs_overlays_trampoline_lowered:
0x8: {  	[smem:$0x3FAC] =	sst s0  }
0x9: {  	[smem:$0x3FAD] =	sst s1  }
0xa: {  	[smem:$0x3FAE] =	sst s2  }
0xb: {  	[smem:$0x3FAF] =	sst s3  }
0xc: {  	[smem:$0x3FB0] =	sst s4  }
0xd: {  	[smem:$0x3FB1] =	sst s5  }
0xe: {  	[smem:$0x3FB2] =	sst s6  }
0xf: {  	[smem:$0x3FB3] =	sst s7  }
0x10: {  	[smem:$0x3FB4] =	sst s8  }
0x11: {  	[smem:$0x3FB5] =	sst s9;
	s0 =	simm.s32 @!p0 $0x0  }
0x12: {  	s1 =	sld [smem:$0x3F9B];
	s0 =	simm.s32 @p0 $0x1  }
0x13: {  	[smem:$0x3FB6] =	sst s0;
	s0 =	simm.s32 @!p1 $0x0  }
0x14: {  	s2 =	sld [smem:$0x3F9A];
	s0 =	simm.s32 @p1 $0x1  }
0x15: {  	[smem:$0x3FB7] =	sst s0;
	s0 =	simm.s32 @!p2 $0x0  }
0x16: {  	s3 =	sld [smem:$0x3FDB];
	s0 =	simm.s32 @p2 $0x1  }
0x17: {  	s4 =	simm.s32 $0x1BF5;
	[smem:$0x3FB9] =	sst s0  }
0x18: {  	s0 =	sld [smem:$0x3F9C];
	_ =	swait.ge [sflag:s4], $0x0  }
0x19: {  	s7 =	sld [smem:$0x3F9D]  }
0x1a: {  	s8 =	sadd.s32 $0xFFFFE003, lr  }
0x1b: {  	s9 =	sadd.s32 $0xFFFFFEF7, lr;
	s5 =	simm.s32 $0xFFFFFFFF;
	p2 =	slt.u32 s8, $0xFFFFF086  }
0x1c: {  	p1 =	slt.u32 s9, $0xF7A;
	s5 =	simm.s32 @!p2 $0x0  }
0x1d: {  	s5 =	simm.s32 @p1 $0x1;
	p0 =	seq.s32 s7, s2  }
0x1e: {  	s7 =	smul.u32 @!p0 $0xF7A, s2;
	p2 =	seq.s32 @!p0 s5, $0x0  }
0x1f: {  	s9 =	smul.u32 $0xF7A, s1;
	s8 =	simm.s32 @!p0 $0x1BF5;
	p2 =	por !p2, p0  }
0x20: {  	[sflag:s8] =	ssyncset.s32 @!p0 $0xFFFFF086;
	s6 =	sadd.s32 @!p0 s3, s7;
	s7 =	simm.s32 @!p0 $0x108  }
0x21: {  	s3 =	sadd.s32 s3, s9;
	s6 =	sadd.s32 @!p0 $0x88, s6;
	s7 =	simm.s32 @p2 $0x1082  }
0x22: {  	[simem:s7], [sflag:s8] =	dma.local @!p0 [hbm:s6], $0xF7A  }
0x23: {  	s9 =	sor.u32 $0xD0000000, s2;
	s6 =	simm.s32 $0x108;
	_ =	swait.ge @!p0 [sflag:s8], $0x0  }
0x24: {  	s3 =	sadd.s32 $0x88, s3;
	s6 =	simm.s32 @!p1 $0x1082;
	[sflag:s4] =	ssyncset.s32 $0xFFFFF086  }
0x25: {  	[simem:s6], [sflag:s4] =	dma.local [hbm:s3], $0xF7A  }
0x26: {  	[smem:$0x3F9D] =	sst s1;
	(tag) =	ssettag s2;
	_ =	strace s9  }
0x27: {  	s1 =	sld [smem:$0x3FAD]  }
0x28: {  	s2 =	sld [smem:$0x3FAE]  }
0x29: {  	s4 =	sld [smem:$0x3FB0]  }
0x2a: {  	p0 =	seq.s32 s5, $0x0;
	s5 =	sld [smem:$0x3FB1]  }
0x2b: {  	s6 =	sld [smem:$0x3FB2]  }
0x2c: {  	s7 =	sld [smem:$0x3FB3]  }
0x2d: {  	s3 =	simm.s32 $0x108;
	s8 =	sld [smem:$0x3FB4]  }
0x2e: {  	s3 =	simm.s32 @!p0 $0x1082;
	s9 =	sld [smem:$0x3FB5]  }
0x2f: {  	lr =	sadd.s32 s0, s3;
	s0 =	sld [smem:$0x3FAC]  }
0x30: {  	s3 =	sld [smem:$0x3FAF]  }
0x31: {  	[smem:$0x3FB8] =	sst s10  }
0x32: {  	s10 =	sld [smem:$0x3FB6];
	_ =	sdelay $0x3  }
0x33: {  	p0 =	seq.s32 s10, $0x1;
	s10 =	sld [smem:$0x3FB8];
	_ =	sdelay $0x3  }
0x34: {  	[smem:$0x3FB8] =	sst s10  }
0x35: {  	s10 =	sld [smem:$0x3FB7];
	_ =	sdelay $0x3  }
0x36: {  	p1 =	seq.s32 s10, $0x1;
	s10 =	sld [smem:$0x3FB8];
	_ =	sdelay $0x3  }
0x37: {  	[smem:$0x3FB8] =	sst s10  }
0x38: {  	s10 =	sld [smem:$0x3FB9]  }
0x39: {  	_ = 	snop;
	(pc) =	sbr.ind lr, $3  }
0x3a: {  	_ = 	snop  }
0x3b: {  	_ = 	snop  }
0x3c: {  	p2 =	seq.s32 s10, $0x1;
	s10 =	sld [smem:$0x3FB8]  }
0x3d: {  	_ =	shalt  }
0x3e: {  	_ =	shalt  }
0x3f: {  	_ =	shalt  }
0x40: {  	_ =	shalt  }
0x41: {  	_ =	shalt  }
0x42: {  	_ =	shalt  }
0x43: {  	_ =	shalt  }
0x44: {  	_ =	shalt  }
0x45: {  	_ =	shalt  }
0x46: {  	_ =	shalt  }
0x47: {  	_ =	shalt  }
0x48: {  	_ =	shalt  }
0x49: {  	_ =	shalt  }
0x4a: {  	_ =	shalt  }
0x4b: {  	_ =	shalt  }
0x4c: {  	_ =	shalt  }
0x4d: {  	_ =	shalt  }
0x4e: {  	_ =	shalt  }
0x4f: {  	_ =	shalt  }
0x50: {  	_ =	shalt  }
0x51: {  	_ =	shalt  }
0x52: {  	_ =	shalt  }
0x53: {  	_ =	shalt  }
0x54: {  	_ =	shalt  }
0x55: {  	_ =	shalt  }
0x56: {  	_ =	shalt  }
0x57: {  	_ =	shalt  }
0x58: {  	_ =	shalt  }
0x59: {  	_ =	shalt  }
0x5a: {  	_ =	shalt  }
0x5b: {  	_ =	shalt  }
0x5c: {  	_ =	shalt  }
0x5d: {  	_ =	shalt  }
0x5e: {  	_ =	shalt  }
0x5f: {  	_ =	shalt  }
0x60: {  	_ =	shalt  }
0x61: {  	_ =	shalt  }
0x62: {  	_ =	shalt  }
0x63: {  	_ =	shalt  }
0x64: {  	_ =	shalt  }
0x65: {  	_ =	shalt  }
0x66: {  	_ =	shalt  }
0x67: {  	_ =	shalt  }
0x68: {  	_ =	shalt  }
0x69: {  	_ =	shalt  }
0x6a: {  	_ =	shalt  }
0x6b: {  	_ =	shalt  }
0x6c: {  	_ =	shalt  }
0x6d: {  	_ =	shalt  }
0x6e: {  	_ =	shalt  }
0x6f: {  	_ =	shalt  }
0x70: {  	_ =	shalt  }
0x71: {  	_ =	shalt  }
0x72: {  	_ =	shalt  }
0x73: {  	_ =	shalt  }
0x74: {  	_ =	shalt  }
0x75: {  	_ =	shalt  }
0x76: {  	_ =	shalt  }
0x77: {  	_ =	shalt  }
0x78: {  	_ =	shalt  }
0x79: {  	_ =	shalt  }
0x7a: {  	_ =	shalt  }
0x7b: {  	_ =	shalt  }
0x7c: {  	_ =	shalt  }
0x7d: {  	_ =	shalt  }
0x7e: {  	_ =	shalt  }
0x7f: {  	_ =	shalt  }
0x80: {  	_ =	shalt  }
0x81: {  	_ =	shalt  }
0x82: {  	_ =	shalt  }
0x83: {  	_ =	shalt  }
0x84: {  	_ =	shalt  }
0x85: {  	_ =	shalt  }
0x86: {  	_ =	shalt  }
0x87: {  	_ =	shalt  }
.Lfunc_end0:
.L_simem_size_0:
called_computation.1_lowered:
.L_overlay_start_0:
0x88: {  	s2 =	sld [smem:$0x3FD9]  }
0x89: {  	s3 =	sld [smem:$0x3FFE];
	_ =	sdelay $0x1  }
0x8a: {  	s1 =	srdreg.scid  }
0x8b: {  	s0 =	sand.u32 $0x1, s1  }
0x8c: {  	s17 =	sshll.u32 s0, $0xA;
	s2 =	sadd.s32 s3, s2  }
0x8d: {  	s2 =	sadd.s32 s2, s17  }
0x8e: {  	[smem:$0x3FC4] =	sst s2  }
0x8f: {  	_ = 	snop  }
0x90: {  	s2 =	sld [smem:$0x3FD0];
	(tm) =	ssettm $0x1  }
0x91: {  	s18 =	sld [smem:$0x3FFB];
	_ =	sdelay $0x3  }
0x92: {  	_ =	strace s18  }
0x93: {  	s3 =	sld [smem:$0x3FFC];
	_ =	sdelay $0x3  }
0x94: {  	_ =	strace s3  }
0x95: {  	s3 =	sld [smem:$0x3FFD];
	_ =	sdelay $0x3  }
0x96: {  	_ =	strace s3  }
0x97: {  	_ =	strace $0x8FFFFFFF  }
0x98: {  	s19 =	sld [smem:$0x3FDB];
	_ =	sdelay $0x1  }
0x99: {  	s4 =	simm.s32 $_scs_section_size  }
0x9a: {  	s5 =	simm.s32 $_size__tile_overlayer_lowered;
	s6 =	simm.s32 $_tile_overlayer_lowered  }
0x9b: {  	s22 =	simm.s32 $0x1BFF;
	s21 =	sshll.u32 s6, $0x1;
	s3 =	sadd.s32 s4, s19  }
0x9c: {  	s7 =	simm.s32 $0x0;
	s20 =	sshll.u32 s5, $0x1;
	s5 =	sadd.s32 s21, s3  }
0x9d: {  	[timem:s7], [sflag:s22] =	dma.local [hbm:s5], s20  }
0x9e: {  	_ =	swait.ge [sflag:s22], s20  }
0x9f: {  	s4 =	ssub.s32 $0x0, s20;
	[sflag:s22] =	ssyncset.done $0x0  }
0xa0: {  	[sflag:s22] =	ssyncadd.s32 s4;
	_ =	sdelay $0x1  }
0xa1: {  	s23 =	simm.s32 $0x1B8B  }
0xa2: {  	_ =	swait.ge [sflag:s23], $0x1  }
0xa3: {  	[sflag:s23] =	ssyncset.done $0x0  }
0xa4: {  	s25 =	simm.s32 $0x1B8E;
	s24 =	sld [smem:$0x3FFE];
	[sflag:s23] =	ssyncadd.s32 $0xFFFFFFFF  }
0xa5: {  	s26 =	simm.s32 $execute0_lowered;
	[smem:$0x3FD2] =	sst s25  }
0xa6: {  	s5 =	sshll.u32 s26, $0x1;
	_ =	strace $0x80000049;
	[dreg:$0x1] =	wrdreg $0xFFFFFFFF  }
0xa7: {  	s28 =	simm.s32 $_size_execute0_lowered;
	s3 =	sadd.s32 s3, s5;
	[dreg:$0x0] =	wrdreg $0x0  }
0xa8: {  	s5 =	sshll.u32 s28, $0x1;
	[dreg:$0x2] =	wrdreg s3  }
0xa9: {  	[dreg:$0x3] =	wrdreg s5  }
0xaa: {  	[dreg:$0x4] =	wrdreg $0xC0  }
0xab: {  	_ =	task [dreg:s7], $0x5FFFF  }
0xac: {  	[dreg:$0x1] =	wrdreg $0xFFFFFFFF  }
0xad: {  	[dreg:$0x0] =	wrdreg $0x60  }
0xae: {  	[dreg:$0x2] =	wrdreg s24  }
0xaf: {  	[dreg:$0x3] =	wrdreg s2  }
0xb0: {  	[dreg:$0x4] =	wrdreg $0x9  }
0xb1: {  	_ =	task.clear_ibuf [dreg:s7], $0x5FFFF;
	_ =	strace $0x90000049  }
0xb2: {  	s29 =	simm.s32 $0x9;
	_ =	strace $0x8000004B  }
0xb3: {  	_ =	swait.ge [sflag:s29], $0x1  }
0xb4: {  	[sflag:s29] =	ssyncadd.s32 $0xFFFFFFFF  }
0xb5: {  	_ =	strace $0x9000004B  }
0xb6: {  	_ =	sfence  }
0xb7: {  	s30 =	sld [smem:$0x0];
	_ =	sdelay $0x2  }
0xb8: {  	s31 =	sshll.u32 s1, $0xD;
	s1 =	sshrl.u32 s1, $0x2  }
0xb9: {  	s3 =	sand.u32 $0x4000, s31;
	s1 =	sadd.s32 s1, s30  }
0xba: {  	s0 =	sor.u32 s3, s0;
	s1 =	sshll.u32 s1, $0x11  }
0xbb: {  	s0 =	sor.u32 s1, s0  }
0xbc: {  	s0 =	sadd.s32 $0x8F2B, s0  }
0xbd: {  	[sflag:s0] =	ssyncadd.remote.s32 $0x1  }
0xbe: {  	_ =	sfence.sel $0xFFFF  }
0xbf: {  	[dreg:$0x0] =	wrdreg $0xFFFFFFFF;
	(pc) =	sbr.abs _section_cstart, $3  }
0xc0: {  	[dreg:$0x1] =	wrdreg $0xFFFFFFFF  }
0xc1: {  	_ =	task.clear_ibuf [dreg:s7], $0x2FFFF;
	_ =	strace $0x9FFFFFFF  }
0xc2: {  	(tm) =	ssettm $0x7FFFFFFF  }
0xc3: {  	_ =	shalt  }
tec
execute0_lowered:
.L_overlay_start_1:
0x0: {  	(tag) =	ssettag $0x1  }
0x1: {  	s1 =	srdreg.scid;
	s4 =	rddreg [dreg:$0x0]  }
0x2: {  	s0 =	stileid.u32;
	s5 =	rddreg [dreg:$0x1];
	s18 =	simm.s32 $0x880  }
0x3: {  	s19 =	simm.s32 $0x1080;
	s20 =	simm.s32 $0x1880;
	s21 =	simm.s32 $0x2080  }
0x4: {  	s23 =	simm.s32 $0x2880;
	s24 =	simm.s32 $0x3080;
	s25 =	simm.s32 $0x3880  }
0x5: {  	s26 =	simm.s32 $0x4080;
	s7 =	simm.s32 $0x80;
	s9 =	simm.s32 $0x5080  }
0x6: {  	s10 =	simm.s32 $0x5880;
	s11 =	simm.s32 $0x6080;
	s1 =	sand.u32 $0x1, s1  }
0x7: {  	s12 =	simm.s32 $0x6880;
	s2 =	sshll.u32 s0, $0x8;
	s3 =	sshll.u32 s1, $0x7  }
0x8: {  	s13 =	simm.s32 $0x7080;
	s3 =	sor.u32 s3, s2;
	s2 =	simm.s32 $0x0  }
0x9: {  	s14 =	simm.s32 $0x7880;
	s15 =	simm.s32 $0x8080;
	[smem:$0x7FF] =	sst s2  }
0xa: {  	s16 =	simm.s32 $0x8880;
	_ =	strace $0x8000004A;
	[dreg:$0x5] =	wrdreg s18  }
0xb: {  	s17 =	simm.s32 $0x9080;
	s28 =	simm.s32 $0xE080;
	[dreg:$0x6] =	wrdreg s19  }
0xc: {  	s29 =	simm.s32 $0xE880;
	s30 =	simm.s32 $0xF080;
	[dreg:$0x7] =	wrdreg s20  }
0xd: {  	s31 =	simm.s32 $0xF880;
	s1 =	ssub.s32 $0x2, s1;
	[dreg:$0x8] =	wrdreg s21  }
0xe: {  	s22 =	sshrl.u32 s1, $0x1;
	s6 =	sshrl.u32 s3, $0x3;
	[dreg:$0x9] =	wrdreg s23  }
0xf: {  	s3 =	sshll.u32 s3, $0x6;
	s1 =	ssub.s32 s1, s22;
	[dreg:$0xa] =	wrdreg s24  }
0x10: {  	s22 =	simm.s32 $0xB880;
	s6 =	sadd.s32 s6, s4;
	[dreg:$0xb] =	wrdreg s25  }
0x11: {  	s3 =	sadd.s32 s5, s3;
	s5 =	smax.u32 s1, $0x1;
	[dreg:$0xc] =	wrdreg s26  }
0x12: {  	s18 =	simm.s32 $0x9880;
	s19 =	simm.s32 $0xA080;
	s20 =	simm.s32 $0xA880  }
0x13: {  	s21 =	simm.s32 $0xB080;
	s23 =	simm.s32 $0xC080;
	s24 =	simm.s32 $0xC880  }
0x14: {  	v2 =	vlaneseq.u32;
	s25 =	simm.s32 $0xD080;
	s26 =	simm.s32 $0xD880;
	s1 =	simm.s32 $0x1  }
0x15: {  	vm0 =	vmmov $0xffff;
	v1 =	vshrl.u32 v2, $0x3;
	s6 =	sadd.s32 $0x1200, s6;
	[dreg:$0x4] =	wrdreg s3;
	s3 =	sadd.s32 $0x1400, s4  }
0x16: {  	v0 =	vand.u32 $0x7, v2;
	v2 =	vor.u32 $0x8, v2;
	v1 =	vmul.u32 $0x8, v1;
	s4 =	sadd.s32 $0x1500, s4;
	[dreg:$0x3] =	wrdreg s6;
	s6 =	simm.s32 $0x2  }
.LBB2_1:
0x17: {  	s0 =	rddreg [dreg:$0x3]  }
0x18: {  	[tilespmem:s2], [sflag:$0x2] =	stream.linear.gather [hbm4b:s0+s2], $0x80, $0x38;
	[tilespmem:$0x10080] =	vst v63  }
0x19: {  	_ =	swait.ge [sflag:s6], $0x80  }
0x1a: {  	[sflag:s6] =	ssyncset.done $0x0  }
0x1b: {  	[sflag:s6] =	ssyncadd.s32 $0xFFFFFF80  }
0x1c: {  	v3 =	vld [tilespmem:$0x0];
	_ =	sdelay $0x4  }
0x1d: {  	v4 =	vshll.u32 v3, $0x2  }
0x1e: {  	v3 =	vand.u32 $0x7, v3;
	v4 =	vand.u32 $0xFFFFFFE0, v4  }
0x1f: {  	v3 =	vor.u32 v3, v4  }
0x20: {  	v4 =	vperm.xlane v3, v0;
	_ =	sdelay $0x1  }
0x21: {  	v4 =	vadd.s32 v1, v4;
	_ =	sdelay $0x1  }
0x22: {  	v3 =	vperm.xlane v3, v2;
	_ =	sdelay $0x1  }
0x23: {  	v3 =	vadd.s32 v1, v3  }
0x24: {  	[tilespmem:s7], [sflag:$0x1] =	stream.indirect_vreg.gather [hbm4b:s3+s2], $0x80, v4, vm0, $0xb8;
	[tilespmem:$0x10080] =	vst v63  }
0x25: {  	s0 =	rddreg [dreg:$0x5]  }
0x26: {  	[tilespmem:s0], [sflag:$0x1] =	stream.indirect_vreg.gather [hbm4b:s4+s2], $0x80, v4, vm0, $0xb8;
	[tilespmem:$0x10080] =	vst v63  }
0x27: {  	s8 =	rddreg [dreg:$0x6]  }
0x28: {  	[tilespmem:s8], [sflag:$0x1] =	stream.indirect_vreg.gather [hbm4b:s3+s2], $0x80, v3, vm0, $0xb8;
	[tilespmem:$0x10080] =	vst v63  }
0x29: {  	s0 =	rddreg [dreg:$0x7]  }
0x2a: {  	[tilespmem:s0], [sflag:$0x1] =	stream.indirect_vreg.gather [hbm4b:s4+s2], $0x80, v3, vm0, $0xb8;
	[tilespmem:$0x10080] =	vst v63  }
0x2b: {  	v3 =	vld [tilespmem:$0x10];
	_ =	sdelay $0x4  }
0x2c: {  	v57 =	vshll.u32 v3, $0x2  }
0x2d: {  	v3 =	vand.u32 $0x7, v3;
	v4 =	vand.u32 $0xFFFFFFE0, v57  }
0x2e: {  	v3 =	vor.u32 v3, v4  }
0x2f: {  	v4 =	vperm.xlane v3, v0;
	_ =	sdelay $0x1  }
0x30: {  	v4 =	vadd.s32 v1, v4;
	_ =	sdelay $0x1  }
0x31: {  	v3 =	vperm.xlane v3, v2;
	_ =	sdelay $0x1  }
0x32: {  	s0 =	rddreg [dreg:$0x8];
	v3 =	vadd.s32 v1, v3  }
0x33: {  	[tilespmem:s0], [sflag:$0x1] =	stream.indirect_vreg.gather [hbm4b:s3+s2], $0x80, v4, vm0, $0xb8;
	[tilespmem:$0x10080] =	vst v63  }
0x34: {  	s8 =	rddreg [dreg:$0x9]  }
0x35: {  	[tilespmem:s8], [sflag:$0x1] =	stream.indirect_vreg.gather [hbm4b:s4+s2], $0x80, v4, vm0, $0xb8;
	[tilespmem:$0x10080] =	vst v63  }
0x36: {  	s0 =	rddreg [dreg:$0xa]  }
0x37: {  	[tilespmem:s0], [sflag:$0x1] =	stream.indirect_vreg.gather [hbm4b:s3+s2], $0x80, v3, vm0, $0xb8;
	[tilespmem:$0x10080] =	vst v63  }
0x38: {  	s8 =	rddreg [dreg:$0xb]  }
0x39: {  	[tilespmem:s8], [sflag:$0x1] =	stream.indirect_vreg.gather [hbm4b:s4+s2], $0x80, v3, vm0, $0xb8;
	[tilespmem:$0x10080] =	vst v63  }
0x3a: {  	v3 =	vld [tilespmem:$0x20];
	_ =	sdelay $0x4  }
0x3b: {  	v58 =	vshll.u32 v3, $0x2  }
0x3c: {  	v3 =	vand.u32 $0x7, v3;
	v4 =	vand.u32 $0xFFFFFFE0, v58  }
0x3d: {  	v3 =	vor.u32 v3, v4  }
0x3e: {  	v4 =	vperm.xlane v3, v0;
	_ =	sdelay $0x1  }
0x3f: {  	v4 =	vadd.s32 v1, v4;
	_ =	sdelay $0x1  }
0x40: {  	v3 =	vperm.xlane v3, v2;
	_ =	sdelay $0x1  }
0x41: {  	s8 =	rddreg [dreg:$0xc];
	v3 =	vadd.s32 v1, v3  }
0x42: {  	[tilespmem:s8], [sflag:$0x1] =	stream.indirect_vreg.gather [hbm4b:s3+s2], $0x80, v4, vm0, $0xb8;
	[tilespmem:$0x10080] =	vst v63  }
0x43: {  	s8 =	simm.s32 $0x4880  }
0x44: {  	[tilespmem:s8], [sflag:$0x1] =	stream.indirect_vreg.gather [hbm4b:s4+s2], $0x80, v4, vm0, $0xb8;
	[tilespmem:$0x10080] =	vst v63  }
0x45: {  	_ = 	snop  }
0x46: {  	[tilespmem:s9], [sflag:$0x1] =	stream.indirect_vreg.gather [hbm4b:s3+s2], $0x80, v3, vm0, $0xb8;
	[tilespmem:$0x10080] =	vst v63  }
0x47: {  	_ = 	snop  }
0x48: {  	[tilespmem:s10], [sflag:$0x1] =	stream.indirect_vreg.gather [hbm4b:s4+s2], $0x80, v3, vm0, $0xb8;
	[tilespmem:$0x10080] =	vst v63  }
0x49: {  	v3 =	vld [tilespmem:$0x30];
	_ =	sdelay $0x4  }
0x4a: {  	v59 =	vshll.u32 v3, $0x2  }
0x4b: {  	v3 =	vand.u32 $0x7, v3;
	v4 =	vand.u32 $0xFFFFFFE0, v59  }
0x4c: {  	v3 =	vor.u32 v3, v4  }
0x4d: {  	v4 =	vperm.xlane v3, v0;
	_ =	sdelay $0x1  }
0x4e: {  	v4 =	vadd.s32 v1, v4;
	_ =	sdelay $0x1  }
0x4f: {  	v3 =	vperm.xlane v3, v2;
	_ =	sdelay $0x1  }
0x50: {  	v3 =	vadd.s32 v1, v3  }
0x51: {  	[tilespmem:s11], [sflag:$0x1] =	stream.indirect_vreg.gather [hbm4b:s3+s2], $0x80, v4, vm0, $0xb8;
	[tilespmem:$0x10080] =	vst v63  }
0x52: {  	_ = 	snop  }
0x53: {  	[tilespmem:s12], [sflag:$0x1] =	stream.indirect_vreg.gather [hbm4b:s4+s2], $0x80, v4, vm0, $0xb8;
	[tilespmem:$0x10080] =	vst v63  }
0x54: {  	_ = 	snop  }
0x55: {  	[tilespmem:s13], [sflag:$0x1] =	stream.indirect_vreg.gather [hbm4b:s3+s2], $0x80, v3, vm0, $0xb8;
	[tilespmem:$0x10080] =	vst v63  }
0x56: {  	_ = 	snop  }
0x57: {  	[tilespmem:s14], [sflag:$0x1] =	stream.indirect_vreg.gather [hbm4b:s4+s2], $0x80, v3, vm0, $0xb8;
	[tilespmem:$0x10080] =	vst v63  }
0x58: {  	v3 =	vld [tilespmem:$0x40];
	_ =	sdelay $0x4  }
0x59: {  	v60 =	vshll.u32 v3, $0x2  }
0x5a: {  	v3 =	vand.u32 $0x7, v3;
	v4 =	vand.u32 $0xFFFFFFE0, v60  }
0x5b: {  	v3 =	vor.u32 v3, v4  }
0x5c: {  	v4 =	vperm.xlane v3, v0;
	_ =	sdelay $0x1  }
0x5d: {  	v4 =	vadd.s32 v1, v4;
	_ =	sdelay $0x1  }
0x5e: {  	v3 =	vperm.xlane v3, v2;
	_ =	sdelay $0x1  }
0x5f: {  	v3 =	vadd.s32 v1, v3  }
0x60: {  	[tilespmem:s15], [sflag:$0x1] =	stream.indirect_vreg.gather [hbm4b:s3+s2], $0x80, v4, vm0, $0xb8;
	[tilespmem:$0x10080] =	vst v63  }
0x61: {  	_ = 	snop  }
0x62: {  	[tilespmem:s16], [sflag:$0x1] =	stream.indirect_vreg.gather [hbm4b:s4+s2], $0x80, v4, vm0, $0xb8;
	[tilespmem:$0x10080] =	vst v63  }
0x63: {  	_ = 	snop  }
0x64: {  	[tilespmem:s17], [sflag:$0x1] =	stream.indirect_vreg.gather [hbm4b:s3+s2], $0x80, v3, vm0, $0xb8;
	[tilespmem:$0x10080] =	vst v63  }
0x65: {  	_ = 	snop  }
0x66: {  	[tilespmem:s18], [sflag:$0x1] =	stream.indirect_vreg.gather [hbm4b:s4+s2], $0x80, v3, vm0, $0xb8;
	[tilespmem:$0x10080] =	vst v63  }
0x67: {  	v3 =	vld [tilespmem:$0x50];
	_ =	sdelay $0x4  }
0x68: {  	v61 =	vshll.u32 v3, $0x2  }
0x69: {  	v3 =	vand.u32 $0x7, v3;
	v4 =	vand.u32 $0xFFFFFFE0, v61  }
0x6a: {  	v3 =	vor.u32 v3, v4  }
0x6b: {  	v4 =	vperm.xlane v3, v0;
	_ =	sdelay $0x1  }
0x6c: {  	v4 =	vadd.s32 v1, v4;
	_ =	sdelay $0x1  }
0x6d: {  	v3 =	vperm.xlane v3, v2;
	_ =	sdelay $0x1  }
0x6e: {  	v3 =	vadd.s32 v1, v3  }
0x6f: {  	[tilespmem:s19], [sflag:$0x1] =	stream.indirect_vreg.gather [hbm4b:s3+s2], $0x80, v4, vm0, $0xb8;
	[tilespmem:$0x10080] =	vst v63  }
0x70: {  	_ = 	snop  }
0x71: {  	[tilespmem:s20], [sflag:$0x1] =	stream.indirect_vreg.gather [hbm4b:s4+s2], $0x80, v4, vm0, $0xb8;
	[tilespmem:$0x10080] =	vst v63  }
0x72: {  	_ = 	snop  }
0x73: {  	[tilespmem:s21], [sflag:$0x1] =	stream.indirect_vreg.gather [hbm4b:s3+s2], $0x80, v3, vm0, $0xb8;
	[tilespmem:$0x10080] =	vst v63  }
0x74: {  	_ = 	snop  }
0x75: {  	[tilespmem:s22], [sflag:$0x1] =	stream.indirect_vreg.gather [hbm4b:s4+s2], $0x80, v3, vm0, $0xb8;
	[tilespmem:$0x10080] =	vst v63  }
0x76: {  	v3 =	vld [tilespmem:$0x60];
	_ =	sdelay $0x4  }
0x77: {  	v62 =	vshll.u32 v3, $0x2  }
0x78: {  	v3 =	vand.u32 $0x7, v3;
	v4 =	vand.u32 $0xFFFFFFE0, v62  }
0x79: {  	v3 =	vor.u32 v3, v4  }
0x7a: {  	v4 =	vperm.xlane v3, v0;
	_ =	sdelay $0x1  }
0x7b: {  	v4 =	vadd.s32 v1, v4;
	_ =	sdelay $0x1  }
0x7c: {  	v3 =	vperm.xlane v3, v2;
	_ =	sdelay $0x1  }
0x7d: {  	v3 =	vadd.s32 v1, v3  }
0x7e: {  	[tilespmem:s23], [sflag:$0x1] =	stream.indirect_vreg.gather [hbm4b:s3+s2], $0x80, v4, vm0, $0xb8;
	[tilespmem:$0x10080] =	vst v63  }
0x7f: {  	_ = 	snop  }
0x80: {  	[tilespmem:s24], [sflag:$0x1] =	stream.indirect_vreg.gather [hbm4b:s4+s2], $0x80, v4, vm0, $0xb8;
	[tilespmem:$0x10080] =	vst v63  }
0x81: {  	_ = 	snop  }
0x82: {  	[tilespmem:s25], [sflag:$0x1] =	stream.indirect_vreg.gather [hbm4b:s3+s2], $0x80, v3, vm0, $0xb8;
	[tilespmem:$0x10080] =	vst v63  }
0x83: {  	_ = 	snop  }
0x84: {  	[tilespmem:s26], [sflag:$0x1] =	stream.indirect_vreg.gather [hbm4b:s4+s2], $0x80, v3, vm0, $0xb8;
	[tilespmem:$0x10080] =	vst v63  }
0x85: {  	v3 =	vld [tilespmem:$0x70];
	_ =	sdelay $0x4  }
0x86: {  	v63 =	vshll.u32 v3, $0x2  }
0x87: {  	v3 =	vand.u32 $0x7, v3;
	v4 =	vand.u32 $0xFFFFFFE0, v63  }
0x88: {  	v3 =	vor.u32 v3, v4  }
0x89: {  	v4 =	vperm.xlane v3, v0;
	_ =	sdelay $0x1  }
0x8a: {  	v4 =	vadd.s32 v1, v4;
	_ =	sdelay $0x1  }
0x8b: {  	v3 =	vperm.xlane v3, v2;
	_ =	sdelay $0x1  }
0x8c: {  	v3 =	vadd.s32 v1, v3  }
0x8d: {  	[tilespmem:s28], [sflag:$0x1] =	stream.indirect_vreg.gather [hbm4b:s3+s2], $0x80, v4, vm0, $0xb8;
	[tilespmem:$0x10080] =	vst v63  }
0x8e: {  	_ = 	snop  }
0x8f: {  	[tilespmem:s29], [sflag:$0x1] =	stream.indirect_vreg.gather [hbm4b:s4+s2], $0x80, v4, vm0, $0xb8;
	[tilespmem:$0x10080] =	vst v63  }
0x90: {  	_ = 	snop  }
0x91: {  	[tilespmem:s30], [sflag:$0x1] =	stream.indirect_vreg.gather [hbm4b:s3+s2], $0x80, v3, vm0, $0xb8;
	[tilespmem:$0x10080] =	vst v63  }
0x92: {  	_ = 	snop  }
0x93: {  	[tilespmem:s31], [sflag:$0x1] =	stream.indirect_vreg.gather [hbm4b:s4+s2], $0x80, v3, vm0, $0xb8;
	[tilespmem:$0x10080] =	vst v63  }
0x94: {  	_ =	swait.ge [sflag:s1], $0x10000  }
0x95: {  	p0 =	sne.s32 s5, $0x1;
	[sflag:s1] =	ssyncset.done $0x0  }
.Ltmp0:
0x96: {  	s8 =	rddreg [dreg:$0x4];
	[sflag:s1] =	ssyncadd.s32 $0xFFFF0000;
	(pc) =	sbr.rel @p0 .LBB2_1-.Ltmp0, $4  }
0x97: {  	[hbm4b:s8+s2] =	stream.linear.scatter [tilespmem:s7], [sflag:$0x2], $0x10000, $0x38;
	[tilespmem:$0x10080] =	vst v63  }
0x98: {  	_ =	swait.ge [sflag:s6], $0x10000  }
0x99: {  	[sflag:s6] =	ssyncset.done $0x0  }
0x9a: {  	s5 =	sadd.s32 $0xFFFFFFFF, s5;
	[sflag:s6] =	ssyncadd.s32 $0xFFFF0000  }
0x9b: {  	_ =	sfence.sel $0x180000  }
0x9c: {  	[bflag:$0x0] =	sbarrier.arrive $0xFFFF  }
0x9d: {  	_ =	strace $0x9000004A  }
0x9e: {  	s0 =	stileid.u32;
	[bflag:$0x2] =	sbarrier.arrive $0xFFFF  }
0x9f: {  	p0 =	sne.s32 s0, $0x0;
	s0 =	rddreg [dreg:$0x2]  }
0xa0: {  	s0 =	sadd.s32 @!p0 $0x100000, s0  }
0xa1: {  	[sflag:s0] =	ssyncadd.tile.s32 @!p0 $0x1;
	_ =	shalt  }
.Lfunc_end2:
_tile_overlayer_lowered:
.L_overlay_start_2:
0xa2: {  	(tag) =	ssettag $0x2  }
0xa3: {  	s0 =	rddreg [dreg:$0x0];
	s2 =	stileid.u32  }
0xa4: {  	s1 =	rddreg [dreg:$0x1];
	p0 =	sne.s32 s2, $0x0  }
0xa5: {  	s3 =	rddreg [dreg:$0x2];
	[bflag:$0x3] =	sbarrier.arrive $0xFFFF;
	s2 =	simm.s32 @!p0 $0x1C02  }
0xa6: {  	[timem:s3], [sflag:s2] =	dma.local @!p0 [hbm:s0], s1  }
0xa7: {  	s0 =	simm.s32 @!p0 $0x2  }
0xa8: {  	_ =	swait.ge @!p0 [sflag:s0], s1  }
0xa9: {  	s1 =	ssub.s32 @!p0 $0x0, s1;
	[sflag:s0] =	ssyncset.done @!p0 $0x0  }
0xaa: {  	[sflag:s0] =	ssyncadd.s32 @!p0 s1  }
0xab: {  	[bflag:$0x3] =	sbarrier.arrive $0xFFFF  }
0xac: {  	_ =	shalt  }

</sc_bundles>
